<compile_context>
chip_gen: v7x
topology: tpu7x:2x2x1
jax: 0.10.2.dev20260603
libtpu: 0.0.44.dev20260713+nightly
codegen_flags: <defaults>
</compile_context>

<pallas_src>
import functools

import jax
import jax.numpy as jnp
from jax import lax
from jax.experimental import pallas as pl
from jax.experimental.pallas import tpu as pltpu
from jax.experimental.pallas import tpu_sc as plsc

B = 16384
NC, NS, L = 2, 16, 16
NW = NC * NS
BPW = B // NW
GROUPS = BPW // L
CHUNK = 16

_mesh = plsc.VectorSubcoreMesh(core_axis_name="c", subcore_axis_name="s")


@functools.partial(
    pl.kernel,
    out_type=(
        jax.ShapeDtypeStruct((B * 5,), jnp.float32),
        jax.ShapeDtypeStruct((B * 3,), jnp.float32),
        jax.ShapeDtypeStruct((B * 2,), jnp.float32),
    ),
    mesh=_mesh,
    scratch_types=(
        pltpu.VMEM((BPW,), jnp.int32),
        pltpu.VMEM((BPW,), jnp.int32),
        pltpu.VMEM((BPW,), jnp.float32),
        pltpu.VMEM((BPW,), jnp.float32),
        pltpu.VMEM((560,), jnp.float32),
        pltpu.VMEM((BPW * 5,), jnp.float32),
        pltpu.VMEM((BPW * 3,), jnp.float32),
        pltpu.VMEM((BPW * 2,), jnp.float32),
        pltpu.SemaphoreType.DMA,
    ),
    compiler_params=pltpu.CompilerParams(needs_layout_passes=False),
)
def _sc_embed(aid_h, iid_h, hp_h, atk_h, tab_h,
              outa_h, outi_h, outs_h,
              aid_v, iid_v, hp_v, atk_v, tab_v,
              outa_v, outi_v, outs_v, sem):
    wid = lax.axis_index("s") * NC + lax.axis_index("c")
    base = wid * BPW

    copies = [
        pltpu.async_copy(aid_h.at[pl.ds(base, BPW)], aid_v, sem),
        pltpu.async_copy(iid_h.at[pl.ds(base, BPW)], iid_v, sem),
        pltpu.async_copy(hp_h.at[pl.ds(base, BPW)], hp_v, sem),
        pltpu.async_copy(atk_h.at[pl.ds(base, BPW)], atk_v, sem),
        pltpu.async_copy(tab_h, tab_v, sem),
    ]
    for c in copies:
        c.wait()

    w00 = tab_v[pl.ds(464, L)]
    w01 = tab_v[pl.ds(464 + L, L)]
    w10 = tab_v[pl.ds(464 + 2 * L, L)]
    w11 = tab_v[pl.ds(464 + 3 * L, L)]
    b0 = tab_v[pl.ds(464 + 4 * L, L)]
    b1 = tab_v[pl.ds(464 + 5 * L, L)]
    iota = lax.iota(jnp.int32, L)

    def group_body(g):
        off = g * L
        pos = iota + off
        aidx = aid_v[pl.ds(off, L)] * 5
        iidx = iid_v[pl.ds(off, L)] * 3
        h = hp_v[pl.ds(off, L)]
        a = atk_v[pl.ds(off, L)]
        ga = [plsc.load_gather(tab_v, [aidx + j]) for j in range(5)]
        gi = [plsc.load_gather(tab_v, [iidx + (400 + j)]) for j in range(3)]
        s0 = h * w00 + a * w01 + b0
        s1 = h * w10 + a * w11 + b1
        pa = pos * 5
        pi = pos * 3
        ps = pos * 2
        for j in range(5):
            plsc.store_scatter(outa_v, [pa + j], ga[j])
        for j in range(3):
            plsc.store_scatter(outi_v, [pi + j], gi[j])
        plsc.store_scatter(outs_v, [ps], s0)
        plsc.store_scatter(outs_v, [ps + 1], s1)

    out_copies = []
    for c in range(GROUPS // CHUNK):
        plsc.parallel_loop(c * CHUNK, (c + 1) * CHUNK, unroll=8)(group_body)
        lo = c * CHUNK * L
        n = CHUNK * L
        out_copies += [
            pltpu.async_copy(outa_v.at[pl.ds(lo * 5, n * 5)],
                             outa_h.at[pl.ds(base * 5 + lo * 5, n * 5)],
                             sem),
            pltpu.async_copy(outi_v.at[pl.ds(lo * 3, n * 3)],
                             outi_h.at[pl.ds(base * 3 + lo * 3, n * 3)],
                             sem),
            pltpu.async_copy(outs_v.at[pl.ds(lo * 2, n * 2)],
                             outs_h.at[pl.ds(base * 2 + lo * 2, n * 2)],
                             sem),
        ]

    for c in out_copies:
        c.wait()


def kernel(animal_id, item_id, hp, atk, emb_animal, emb_item, W_lin, b_lin):
    tab = jnp.concatenate([
        emb_animal.reshape(-1),
        jnp.pad(emb_item.reshape(-1), (0, 4)),
        jnp.broadcast_to(
            jnp.concatenate([W_lin.reshape(-1), b_lin])[:, None], (6, L)
        ).reshape(-1),
    ])
    outa, outi, outs = _sc_embed(animal_id, item_id, hp, atk, tab)
    return (outa.reshape(B, 5), outi.reshape(B, 3), outs.reshape(B, 2))

# --- scband reference (transcript-rebuilt; emitter-appended) ---
"""Pipeline reference for scband-animal-57492432224326 (READ-ONLY COPY).

The authoritative reference and input builder live on the scoring server;
editing this copy changes nothing except your own understanding.
"""

import jax, jax.numpy as jnp
import numpy as np

B = 16384

def setup_inputs(seed: int = 0) -> dict:
    key = jax.random.key(seed)
    k1, k2, k3, k4, k5, k6, k7, k8 = jax.random.split(key, 8)
    animal_id = jax.random.randint(k1, (B,), 0, 80)
    item_id = jax.random.randint(k2, (B,), 0, 20)
    hp = jax.random.normal(k3, (B,), dtype=jnp.float32)
    atk = jax.random.normal(k4, (B,), dtype=jnp.float32)
    emb_animal = jax.random.normal(k5, (80, 5), dtype=jnp.float32)
    emb_item = jax.random.normal(k6, (20, 3), dtype=jnp.float32)
    W_lin = jax.random.normal(k7, (2, 2), dtype=jnp.float32) * 0.5
    b_lin = jax.random.normal(k8, (2,), dtype=jnp.float32) * 0.1
    return {"animal_id": animal_id, "item_id": item_id, "hp": hp, "atk": atk,
            "emb_animal": emb_animal, "emb_item": emb_item, "W_lin": W_lin, "b_lin": b_lin}

def reference(animal_id, item_id, hp, atk, emb_animal, emb_item, W_lin, b_lin):
    # nn.Embedding lookup -> gather rows
    animal_embed = jnp.take(emb_animal, animal_id, axis=0)   # [B, 5]
    item_embed = jnp.take(emb_item, item_id, axis=0)         # [B, 3]
    # nn.Linear(2, 2) applied to the stacked (hp, atk) stats
    feats = jnp.stack([hp, atk], axis=-1)                    # [B, 2]
    stats_out = feats @ W_lin.T + b_lin                      # [B, 2]
    return (animal_embed, item_embed, stats_out)

if __name__ == "__main__":
    import jax
    _d = setup_inputs()
    print(jax.jit(kernel)(*tuple(_d.values())))

</pallas_src>

<mosaic_0001>
#map = affine_map<(d0, d1) -> (0)>
module attributes {stable_mosaic.version = 14 : i64} {
  func.func @_sc_embed(%arg0: i32, %arg1: i32, %arg2: memref<16384xi32, #tpu.memory_space<hbm>>, %arg3: memref<16384xi32, #tpu.memory_space<hbm>>, %arg4: memref<16384xf32, #tpu.memory_space<hbm>>, %arg5: memref<16384xf32, #tpu.memory_space<hbm>>, %arg6: memref<560xf32, #tpu.memory_space<hbm>>, %arg7: memref<81920xf32, #tpu.memory_space<hbm>>, %arg8: memref<49152xf32, #tpu.memory_space<hbm>>, %arg9: memref<32768xf32, #tpu.memory_space<hbm>>, %arg10: memref<512xi32, #tpu.memory_space<vmem>>, %arg11: memref<512xi32, #tpu.memory_space<vmem>>, %arg12: memref<512xf32, #tpu.memory_space<vmem>>, %arg13: memref<512xf32, #tpu.memory_space<vmem>>, %arg14: memref<560xf32, #tpu.memory_space<vmem>>, %arg15: memref<2560xf32, #tpu.memory_space<vmem>>, %arg16: memref<1536xf32, #tpu.memory_space<vmem>>, %arg17: memref<1024xf32, #tpu.memory_space<vmem>>, %arg18: memref<!tpu.dma_semaphore, #tpu.memory_space<semaphore_mem>>) attributes {dimension_semantics = [#tpu.dimension_semantics<core_parallel>, #tpu.dimension_semantics<subcore_parallel>], iteration_bounds = array<i64: 2, 16>, scalar_prefetch = 0 : i64, scratch_operands = 9 : i64, tpu.core_type = #tpu.core_type<sc_vector_subcore>, window_params = [{transform_indices = #map}, {transform_indices = #map}, {transform_indices = #map}, {transform_indices = #map}, {transform_indices = #map}, {transform_indices = #map}, {transform_indices = #map}, {transform_indices = #map}]} {
    %mul3A = arith.constant 2 : i32
    %mul3A_0 = arith.muli %arg1, %mul3A : i32
    %add3A = arith.addi %mul3A_0, %arg0 : i32
    %mul3A_1 = arith.constant 512 : i32
    %mul3A_2 = arith.muli %add3A, %mul3A_1 : i32
    %dma_start3A = tpu.memref_slice %arg2[%mul3A_2] : memref<16384xi32, #tpu.memory_space<hbm>> -> memref<512xi32, #tpu.memory_space<hbm>>
    %dma_start3A_3 = tpu.memref_slice %arg2[%mul3A_2] : memref<16384xi32, #tpu.memory_space<hbm>> -> memref<512xi32, #tpu.memory_space<hbm>>
    tpu.enqueue_dma source(%dma_start3A_3 : memref<512xi32, #tpu.memory_space<hbm>>) target(%arg10 : memref<512xi32, #tpu.memory_space<vmem>>) target_semaphore(%arg18 : memref<!tpu.dma_semaphore, #tpu.memory_space<semaphore_mem>>)
    %dma_start3A_4 = tpu.memref_slice %arg3[%mul3A_2] : memref<16384xi32, #tpu.memory_space<hbm>> -> memref<512xi32, #tpu.memory_space<hbm>>
    %dma_start3A_5 = tpu.memref_slice %arg3[%mul3A_2] : memref<16384xi32, #tpu.memory_space<hbm>> -> memref<512xi32, #tpu.memory_space<hbm>>
    tpu.enqueue_dma source(%dma_start3A_5 : memref<512xi32, #tpu.memory_space<hbm>>) target(%arg11 : memref<512xi32, #tpu.memory_space<vmem>>) target_semaphore(%arg18 : memref<!tpu.dma_semaphore, #tpu.memory_space<semaphore_mem>>)
    %dma_start3A_6 = tpu.memref_slice %arg4[%mul3A_2] : memref<16384xf32, #tpu.memory_space<hbm>> -> memref<512xf32, #tpu.memory_space<hbm>>
    %dma_start3A_7 = tpu.memref_slice %arg4[%mul3A_2] : memref<16384xf32, #tpu.memory_space<hbm>> -> memref<512xf32, #tpu.memory_space<hbm>>
    tpu.enqueue_dma source(%dma_start3A_7 : memref<512xf32, #tpu.memory_space<hbm>>) target(%arg12 : memref<512xf32, #tpu.memory_space<vmem>>) target_semaphore(%arg18 : memref<!tpu.dma_semaphore, #tpu.memory_space<semaphore_mem>>)
    %dma_start3A_8 = tpu.memref_slice %arg5[%mul3A_2] : memref<16384xf32, #tpu.memory_space<hbm>> -> memref<512xf32, #tpu.memory_space<hbm>>
    %dma_start3A_9 = tpu.memref_slice %arg5[%mul3A_2] : memref<16384xf32, #tpu.memory_space<hbm>> -> memref<512xf32, #tpu.memory_space<hbm>>
    tpu.enqueue_dma source(%dma_start3A_9 : memref<512xf32, #tpu.memory_space<hbm>>) target(%arg13 : memref<512xf32, #tpu.memory_space<vmem>>) target_semaphore(%arg18 : memref<!tpu.dma_semaphore, #tpu.memory_space<semaphore_mem>>)
    tpu.enqueue_dma source(%arg6 : memref<560xf32, #tpu.memory_space<hbm>>) target(%arg14 : memref<560xf32, #tpu.memory_space<vmem>>) target_semaphore(%arg18 : memref<!tpu.dma_semaphore, #tpu.memory_space<semaphore_mem>>)
    %dma_wait3A = tpu.memref_slice %arg2[%mul3A_2] : memref<16384xi32, #tpu.memory_space<hbm>> -> memref<512xi32, #tpu.memory_space<hbm>>
    %dma_wait3A_10 = tpu.memref_slice %arg2[%mul3A_2] : memref<16384xi32, #tpu.memory_space<hbm>> -> memref<512xi32, #tpu.memory_space<hbm>>
    tpu.wait_dma2 semaphore(%arg18 : memref<!tpu.dma_semaphore, #tpu.memory_space<semaphore_mem>>) src(%dma_wait3A_10 : memref<512xi32, #tpu.memory_space<hbm>>) dst(%arg10 : memref<512xi32, #tpu.memory_space<vmem>>)
    %dma_wait3A_11 = tpu.memref_slice %arg3[%mul3A_2] : memref<16384xi32, #tpu.memory_space<hbm>> -> memref<512xi32, #tpu.memory_space<hbm>>
    %dma_wait3A_12 = tpu.memref_slice %arg3[%mul3A_2] : memref<16384xi32, #tpu.memory_space<hbm>> -> memref<512xi32, #tpu.memory_space<hbm>>
    tpu.wait_dma2 semaphore(%arg18 : memref<!tpu.dma_semaphore, #tpu.memory_space<semaphore_mem>>) src(%dma_wait3A_12 : memref<512xi32, #tpu.memory_space<hbm>>) dst(%arg11 : memref<512xi32, #tpu.memory_space<vmem>>)
    %dma_wait3A_13 = tpu.memref_slice %arg4[%mul3A_2] : memref<16384xf32, #tpu.memory_space<hbm>> -> memref<512xf32, #tpu.memory_space<hbm>>
    %dma_wait3A_14 = tpu.memref_slice %arg4[%mul3A_2] : memref<16384xf32, #tpu.memory_space<hbm>> -> memref<512xf32, #tpu.memory_space<hbm>>
    tpu.wait_dma2 semaphore(%arg18 : memref<!tpu.dma_semaphore, #tpu.memory_space<semaphore_mem>>) src(%dma_wait3A_14 : memref<512xf32, #tpu.memory_space<hbm>>) dst(%arg12 : memref<512xf32, #tpu.memory_space<vmem>>)
    %dma_wait3A_15 = tpu.memref_slice %arg5[%mul3A_2] : memref<16384xf32, #tpu.memory_space<hbm>> -> memref<512xf32, #tpu.memory_space<hbm>>
    %dma_wait3A_16 = tpu.memref_slice %arg5[%mul3A_2] : memref<16384xf32, #tpu.memory_space<hbm>> -> memref<512xf32, #tpu.memory_space<hbm>>
    tpu.wait_dma2 semaphore(%arg18 : memref<!tpu.dma_semaphore, #tpu.memory_space<semaphore_mem>>) src(%dma_wait3A_16 : memref<512xf32, #tpu.memory_space<hbm>>) dst(%arg13 : memref<512xf32, #tpu.memory_space<vmem>>)
    tpu.wait_dma2 semaphore(%arg18 : memref<!tpu.dma_semaphore, #tpu.memory_space<semaphore_mem>>) src(%arg6 : memref<560xf32, #tpu.memory_space<hbm>>) dst(%arg14 : memref<560xf32, #tpu.memory_space<vmem>>)
    %get3A = arith.constant 464 : index
    %get3A_17 = tpu.vector_load %arg14[%get3A] {strides = array<i32>} : memref<560xf32, #tpu.memory_space<vmem>>, vector<16xf32>,
    %get3A_18 = arith.constant 480 : index
    %get3A_19 = tpu.vector_load %arg14[%get3A_18] {strides = array<i32>} : memref<560xf32, #tpu.memory_space<vmem>>, vector<16xf32>,
    %get3A_20 = arith.constant 496 : index
    %get3A_21 = tpu.vector_load %arg14[%get3A_20] {strides = array<i32>} : memref<560xf32, #tpu.memory_space<vmem>>, vector<16xf32>,
    %get3A_22 = arith.constant 512 : index
    %get3A_23 = tpu.vector_load %arg14[%get3A_22] {strides = array<i32>} : memref<560xf32, #tpu.memory_space<vmem>>, vector<16xf32>,
    %get3A_24 = arith.constant 528 : index
    %get3A_25 = tpu.vector_load %arg14[%get3A_24] {strides = array<i32>} : memref<560xf32, #tpu.memory_space<vmem>>, vector<16xf32>,
    %get3A_26 = arith.constant 544 : index
    %get3A_27 = tpu.vector_load %arg14[%get3A_26] {strides = array<i32>} : memref<560xf32, #tpu.memory_space<vmem>>, vector<16xf32>,
    %iota3A = tpu.iota {dimensions = array<i32: 0>} : vector<16xi32>
    %parallel_loop3A = arith.constant 0 : i32
    %parallel_loop3A_28 = arith.constant 16 : i32
    %parallel_loop3A_29 = arith.constant 1 : i32
    scf.for %parallel_loop3A_129 = %parallel_loop3A to %parallel_loop3A_28 step %parallel_loop3A_29  : i32 {
      %parallel_loop3A_130 = arith.constant 16 : i32
      %parallel_loop3A_131 = arith.muli %parallel_loop3A_129, %parallel_loop3A_130 : i32
      %parallel_loop3A_132 = vector.broadcast %parallel_loop3A_131 : i32 to vector<16xi32>
      %parallel_loop3A_133 = arith.addi %iota3A, %parallel_loop3A_132 : vector<16xi32>
      %parallel_loop3A_134 = arith.index_cast %parallel_loop3A_131 : i32 to index
      %parallel_loop3A_135 = tpu.vector_load %arg10[%parallel_loop3A_134] {strides = array<i32>} : memref<512xi32, #tpu.memory_space<vmem>>, vector<16xi32>,
      %parallel_loop3A_136 = arith.constant 5 : i32
      %parallel_loop3A_137 = vector.broadcast %parallel_loop3A_136 : i32 to vector<16xi32>
      %parallel_loop3A_138 = arith.muli %parallel_loop3A_135, %parallel_loop3A_137 : vector<16xi32>
      %parallel_loop3A_139 = arith.index_cast %parallel_loop3A_131 : i32 to index
      %parallel_loop3A_140 = tpu.vector_load %arg11[%parallel_loop3A_139] {strides = array<i32>} : memref<512xi32, #tpu.memory_space<vmem>>, vector<16xi32>,
      %parallel_loop3A_141 = arith.constant 3 : i32
      %parallel_loop3A_142 = vector.broadcast %parallel_loop3A_141 : i32 to vector<16xi32>
      %parallel_loop3A_143 = arith.muli %parallel_loop3A_140, %parallel_loop3A_142 : vector<16xi32>
      %parallel_loop3A_144 = arith.index_cast %parallel_loop3A_131 : i32 to index
      %parallel_loop3A_145 = tpu.vector_load %arg12[%parallel_loop3A_144] {strides = array<i32>} : memref<512xf32, #tpu.memory_space<vmem>>, vector<16xf32>,
      %parallel_loop3A_146 = arith.index_cast %parallel_loop3A_131 : i32 to index
      %parallel_loop3A_147 = tpu.vector_load %arg13[%parallel_loop3A_146] {strides = array<i32>} : memref<512xf32, #tpu.memory_space<vmem>>, vector<16xf32>,
      %parallel_loop3A_148 = arith.constant 0 : i32
      %parallel_loop3A_149 = vector.broadcast %parallel_loop3A_148 : i32 to vector<16xi32>
      %parallel_loop3A_150 = arith.addi %parallel_loop3A_138, %parallel_loop3A_149 : vector<16xi32>
      %parallel_loop3A_151 = tpu.vector_load_idx %arg14[%parallel_loop3A_150] : memref<560xf32, #tpu.memory_space<vmem>>[vector<16xi32>], vector<16xf32>,
      %parallel_loop3A_152 = arith.constant 1 : i32
      %parallel_loop3A_153 = vector.broadcast %parallel_loop3A_152 : i32 to vector<16xi32>
      %parallel_loop3A_154 = arith.addi %parallel_loop3A_138, %parallel_loop3A_153 : vector<16xi32>
      %parallel_loop3A_155 = tpu.vector_load_idx %arg14[%parallel_loop3A_154] : memref<560xf32, #tpu.memory_space<vmem>>[vector<16xi32>], vector<16xf32>,
      %parallel_loop3A_156 = arith.constant 2 : i32
      %parallel_loop3A_157 = vector.broadcast %parallel_loop3A_156 : i32 to vector<16xi32>
      %parallel_loop3A_158 = arith.addi %parallel_loop3A_138, %parallel_loop3A_157 : vector<16xi32>
      %parallel_loop3A_159 = tpu.vector_load_idx %arg14[%parallel_loop3A_158] : memref<560xf32, #tpu.memory_space<vmem>>[vector<16xi32>], vector<16xf32>,
      %parallel_loop3A_160 = arith.constant 3 : i32
      %parallel_loop3A_161 = vector.broadcast %parallel_loop3A_160 : i32 to vector<16xi32>
      %parallel_loop3A_162 = arith.addi %parallel_loop3A_138, %parallel_loop3A_161 : vector<16xi32>
      %parallel_loop3A_163 = tpu.vector_load_idx %arg14[%parallel_loop3A_162] : memref<560xf32, #tpu.memory_space<vmem>>[vector<16xi32>], vector<16xf32>,
      %parallel_loop3A_164 = arith.constant 4 : i32
      %parallel_loop3A_165 = vector.broadcast %parallel_loop3A_164 : i32 to vector<16xi32>
      %parallel_loop3A_166 = arith.addi %parallel_loop3A_138, %parallel_loop3A_165 : vector<16xi32>
      %parallel_loop3A_167 = tpu.vector_load_idx %arg14[%parallel_loop3A_166] : memref<560xf32, #tpu.memory_space<vmem>>[vector<16xi32>], vector<16xf32>,
      %parallel_loop3A_168 = arith.constant 400 : i32
      %parallel_loop3A_169 = vector.broadcast %parallel_loop3A_168 : i32 to vector<16xi32>
      %parallel_loop3A_170 = arith.addi %parallel_loop3A_143, %parallel_loop3A_169 : vector<16xi32>
      %parallel_loop3A_171 = tpu.vector_load_idx %arg14[%parallel_loop3A_170] : memref<560xf32, #tpu.memory_space<vmem>>[vector<16xi32>], vector<16xf32>,
      %parallel_loop3A_172 = arith.constant 401 : i32
      %parallel_loop3A_173 = vector.broadcast %parallel_loop3A_172 : i32 to vector<16xi32>
      %parallel_loop3A_174 = arith.addi %parallel_loop3A_143, %parallel_loop3A_173 : vector<16xi32>
      %parallel_loop3A_175 = tpu.vector_load_idx %arg14[%parallel_loop3A_174] : memref<560xf32, #tpu.memory_space<vmem>>[vector<16xi32>], vector<16xf32>,
      %parallel_loop3A_176 = arith.constant 402 : i32
      %parallel_loop3A_177 = vector.broadcast %parallel_loop3A_176 : i32 to vector<16xi32>
      %parallel_loop3A_178 = arith.addi %parallel_loop3A_143, %parallel_loop3A_177 : vector<16xi32>
      %parallel_loop3A_179 = tpu.vector_load_idx %arg14[%parallel_loop3A_178] : memref<560xf32, #tpu.memory_space<vmem>>[vector<16xi32>], vector<16xf32>,
      %parallel_loop3A_180 = arith.mulf %parallel_loop3A_145, %get3A_17 : vector<16xf32>
      %parallel_loop3A_181 = arith.mulf %parallel_loop3A_147, %get3A_19 : vector<16xf32>
      %parallel_loop3A_182 = arith.addf %parallel_loop3A_180, %parallel_loop3A_181 : vector<16xf32>
      %parallel_loop3A_183 = arith.addf %parallel_loop3A_182, %get3A_25 : vector<16xf32>
      %parallel_loop3A_184 = arith.mulf %parallel_loop3A_145, %get3A_21 : vector<16xf32>
      %parallel_loop3A_185 = arith.mulf %parallel_loop3A_147, %get3A_23 : vector<16xf32>
      %parallel_loop3A_186 = arith.addf %parallel_loop3A_184, %parallel_loop3A_185 : vector<16xf32>
      %parallel_loop3A_187 = arith.addf %parallel_loop3A_186, %get3A_27 : vector<16xf32>
      %parallel_loop3A_188 = arith.constant 5 : i32
      %parallel_loop3A_189 = vector.broadcast %parallel_loop3A_188 : i32 to vector<16xi32>
      %parallel_loop3A_190 = arith.muli %parallel_loop3A_133, %parallel_loop3A_189 : vector<16xi32>
      %parallel_loop3A_191 = arith.constant 3 : i32
      %parallel_loop3A_192 = vector.broadcast %parallel_loop3A_191 : i32 to vector<16xi32>
      %parallel_loop3A_193 = arith.muli %parallel_loop3A_133, %parallel_loop3A_192 : vector<16xi32>
      %parallel_loop3A_194 = arith.constant 2 : i32
      %parallel_loop3A_195 = vector.broadcast %parallel_loop3A_194 : i32 to vector<16xi32>
      %parallel_loop3A_196 = arith.muli %parallel_loop3A_133, %parallel_loop3A_195 : vector<16xi32>
      %parallel_loop3A_197 = arith.constant 0 : i32
      %parallel_loop3A_198 = vector.broadcast %parallel_loop3A_197 : i32 to vector<16xi32>
      %parallel_loop3A_199 = arith.addi %parallel_loop3A_190, %parallel_loop3A_198 : vector<16xi32>
      tpu.vector_store_idx %arg15[%parallel_loop3A_199], %parallel_loop3A_151 : memref<2560xf32, #tpu.memory_space<vmem>>[vector<16xi32>], vector<16xf32>,
      %parallel_loop3A_200 = arith.constant 1 : i32
      %parallel_loop3A_201 = vector.broadcast %parallel_loop3A_200 : i32 to vector<16xi32>
      %parallel_loop3A_202 = arith.addi %parallel_loop3A_190, %parallel_loop3A_201 : vector<16xi32>
      tpu.vector_store_idx %arg15[%parallel_loop3A_202], %parallel_loop3A_155 : memref<2560xf32, #tpu.memory_space<vmem>>[vector<16xi32>], vector<16xf32>,
      %parallel_loop3A_203 = arith.constant 2 : i32
      %parallel_loop3A_204 = vector.broadcast %parallel_loop3A_203 : i32 to vector<16xi32>
      %parallel_loop3A_205 = arith.addi %parallel_loop3A_190, %parallel_loop3A_204 : vector<16xi32>
      tpu.vector_store_idx %arg15[%parallel_loop3A_205], %parallel_loop3A_159 : memref<2560xf32, #tpu.memory_space<vmem>>[vector<16xi32>], vector<16xf32>,
      %parallel_loop3A_206 = arith.constant 3 : i32
      %parallel_loop3A_207 = vector.broadcast %parallel_loop3A_206 : i32 to vector<16xi32>
      %parallel_loop3A_208 = arith.addi %parallel_loop3A_190, %parallel_loop3A_207 : vector<16xi32>
      tpu.vector_store_idx %arg15[%parallel_loop3A_208], %parallel_loop3A_163 : memref<2560xf32, #tpu.memory_space<vmem>>[vector<16xi32>], vector<16xf32>,
      %parallel_loop3A_209 = arith.constant 4 : i32
      %parallel_loop3A_210 = vector.broadcast %parallel_loop3A_209 : i32 to vector<16xi32>
      %parallel_loop3A_211 = arith.addi %parallel_loop3A_190, %parallel_loop3A_210 : vector<16xi32>
      tpu.vector_store_idx %arg15[%parallel_loop3A_211], %parallel_loop3A_167 : memref<2560xf32, #tpu.memory_space<vmem>>[vector<16xi32>], vector<16xf32>,
      %parallel_loop3A_212 = arith.constant 0 : i32
      %parallel_loop3A_213 = vector.broadcast %parallel_loop3A_212 : i32 to vector<16xi32>
      %parallel_loop3A_214 = arith.addi %parallel_loop3A_193, %parallel_loop3A_213 : vector<16xi32>
      tpu.vector_store_idx %arg16[%parallel_loop3A_214], %parallel_loop3A_171 : memref<1536xf32, #tpu.memory_space<vmem>>[vector<16xi32>], vector<16xf32>,
      %parallel_loop3A_215 = arith.constant 1 : i32
      %parallel_loop3A_216 = vector.broadcast %parallel_loop3A_215 : i32 to vector<16xi32>
      %parallel_loop3A_217 = arith.addi %parallel_loop3A_193, %parallel_loop3A_216 : vector<16xi32>
      tpu.vector_store_idx %arg16[%parallel_loop3A_217], %parallel_loop3A_175 : memref<1536xf32, #tpu.memory_space<vmem>>[vector<16xi32>], vector<16xf32>,
      %parallel_loop3A_218 = arith.constant 2 : i32
      %parallel_loop3A_219 = vector.broadcast %parallel_loop3A_218 : i32 to vector<16xi32>
      %parallel_loop3A_220 = arith.addi %parallel_loop3A_193, %parallel_loop3A_219 : vector<16xi32>
      tpu.vector_store_idx %arg16[%parallel_loop3A_220], %parallel_loop3A_179 : memref<1536xf32, #tpu.memory_space<vmem>>[vector<16xi32>], vector<16xf32>,
      tpu.vector_store_idx %arg17[%parallel_loop3A_196], %parallel_loop3A_183 : memref<1024xf32, #tpu.memory_space<vmem>>[vector<16xi32>], vector<16xf32>,
      %parallel_loop3A_221 = arith.constant 1 : i32
      %parallel_loop3A_222 = vector.broadcast %parallel_loop3A_221 : i32 to vector<16xi32>
      %parallel_loop3A_223 = arith.addi %parallel_loop3A_196, %parallel_loop3A_222 : vector<16xi32>
      tpu.vector_store_idx %arg17[%parallel_loop3A_223], %parallel_loop3A_187 : memref<1024xf32, #tpu.memory_space<vmem>>[vector<16xi32>], vector<16xf32>,
    } {sc.loop_unroll_factor = 8 : i64, sc.parallel_access}
    %mul3A_30 = arith.constant 5 : i32
    %mul3A_31 = arith.muli %mul3A_2, %mul3A_30 : i32
    %add3A_32 = arith.constant 0 : i32
    %add3A_33 = arith.addi %mul3A_31, %add3A_32 : i32
    %dma_start3A_34 = arith.constant 0 : i32
    %dma_start3A_35 = tpu.memref_slice %arg15[%dma_start3A_34] : memref<2560xf32, #tpu.memory_space<vmem>> -> memref<1280xf32, #tpu.memory_space<vmem>>
    %dma_start3A_36 = tpu.memref_slice %arg7[%add3A_33] : memref<81920xf32, #tpu.memory_space<hbm>> -> memref<1280xf32, #tpu.memory_space<hbm>>
    %dma_start3A_37 = tpu.memref_slice %arg7[%add3A_33] : memref<81920xf32, #tpu.memory_space<hbm>> -> memref<1280xf32, #tpu.memory_space<hbm>>
    %dma_start3A_38 = arith.constant 0 : i32
    %dma_start3A_39 = tpu.memref_slice %arg15[%dma_start3A_38] : memref<2560xf32, #tpu.memory_space<vmem>> -> memref<1280xf32, #tpu.memory_space<vmem>>
    tpu.enqueue_dma source(%dma_start3A_39 : memref<1280xf32, #tpu.memory_space<vmem>>) target(%dma_start3A_37 : memref<1280xf32, #tpu.memory_space<hbm>>) target_semaphore(%arg18 : memref<!tpu.dma_semaphore, #tpu.memory_space<semaphore_mem>>)
    %mul3A_40 = arith.constant 3 : i32
    %mul3A_41 = arith.muli %mul3A_2, %mul3A_40 : i32
    %add3A_42 = arith.constant 0 : i32
    %add3A_43 = arith.addi %mul3A_41, %add3A_42 : i32
    %dma_start3A_44 = arith.constant 0 : i32
    %dma_start3A_45 = tpu.memref_slice %arg16[%dma_start3A_44] : memref<1536xf32, #tpu.memory_space<vmem>> -> memref<768xf32, #tpu.memory_space<vmem>>
    %dma_start3A_46 = tpu.memref_slice %arg8[%add3A_43] : memref<49152xf32, #tpu.memory_space<hbm>> -> memref<768xf32, #tpu.memory_space<hbm>>
    %dma_start3A_47 = tpu.memref_slice %arg8[%add3A_43] : memref<49152xf32, #tpu.memory_space<hbm>> -> memref<768xf32, #tpu.memory_space<hbm>>
    %dma_start3A_48 = arith.constant 0 : i32
    %dma_start3A_49 = tpu.memref_slice %arg16[%dma_start3A_48] : memref<1536xf32, #tpu.memory_space<vmem>> -> memref<768xf32, #tpu.memory_space<vmem>>
    tpu.enqueue_dma source(%dma_start3A_49 : memref<768xf32, #tpu.memory_space<vmem>>) target(%dma_start3A_47 : memref<768xf32, #tpu.memory_space<hbm>>) target_semaphore(%arg18 : memref<!tpu.dma_semaphore, #tpu.memory_space<semaphore_mem>>)
    %mul3A_50 = arith.constant 2 : i32
    %mul3A_51 = arith.muli %mul3A_2, %mul3A_50 : i32
    %add3A_52 = arith.constant 0 : i32
    %add3A_53 = arith.addi %mul3A_51, %add3A_52 : i32
    %dma_start3A_54 = arith.constant 0 : i32
    %dma_start3A_55 = tpu.memref_slice %arg17[%dma_start3A_54] : memref<1024xf32, #tpu.memory_space<vmem>> -> memref<512xf32, #tpu.memory_space<vmem>>
    %dma_start3A_56 = tpu.memref_slice %arg9[%add3A_53] : memref<32768xf32, #tpu.memory_space<hbm>> -> memref<512xf32, #tpu.memory_space<hbm>>
    %dma_start3A_57 = tpu.memref_slice %arg9[%add3A_53] : memref<32768xf32, #tpu.memory_space<hbm>> -> memref<512xf32, #tpu.memory_space<hbm>>
    %dma_start3A_58 = arith.constant 0 : i32
    %dma_start3A_59 = tpu.memref_slice %arg17[%dma_start3A_58] : memref<1024xf32, #tpu.memory_space<vmem>> -> memref<512xf32, #tpu.memory_space<vmem>>
    tpu.enqueue_dma source(%dma_start3A_59 : memref<512xf32, #tpu.memory_space<vmem>>) target(%dma_start3A_57 : memref<512xf32, #tpu.memory_space<hbm>>) target_semaphore(%arg18 : memref<!tpu.dma_semaphore, #tpu.memory_space<semaphore_mem>>)
    %parallel_loop3A_60 = arith.constant 16 : i32
    %parallel_loop3A_61 = arith.constant 32 : i32
    %parallel_loop3A_62 = arith.constant 1 : i32
    scf.for %parallel_loop3A_129 = %parallel_loop3A_60 to %parallel_loop3A_61 step %parallel_loop3A_62  : i32 {
      %parallel_loop3A_130 = arith.constant 16 : i32
      %parallel_loop3A_131 = arith.muli %parallel_loop3A_129, %parallel_loop3A_130 : i32
      %parallel_loop3A_132 = vector.broadcast %parallel_loop3A_131 : i32 to vector<16xi32>
      %parallel_loop3A_133 = arith.addi %iota3A, %parallel_loop3A_132 : vector<16xi32>
      %parallel_loop3A_134 = arith.index_cast %parallel_loop3A_131 : i32 to index
      %parallel_loop3A_135 = tpu.vector_load %arg10[%parallel_loop3A_134] {strides = array<i32>} : memref<512xi32, #tpu.memory_space<vmem>>, vector<16xi32>,
      %parallel_loop3A_136 = arith.constant 5 : i32
      %parallel_loop3A_137 = vector.broadcast %parallel_loop3A_136 : i32 to vector<16xi32>
      %parallel_loop3A_138 = arith.muli %parallel_loop3A_135, %parallel_loop3A_137 : vector<16xi32>
      %parallel_loop3A_139 = arith.index_cast %parallel_loop3A_131 : i32 to index
      %parallel_loop3A_140 = tpu.vector_load %arg11[%parallel_loop3A_139] {strides = array<i32>} : memref<512xi32, #tpu.memory_space<vmem>>, vector<16xi32>,
      %parallel_loop3A_141 = arith.constant 3 : i32
      %parallel_loop3A_142 = vector.broadcast %parallel_loop3A_141 : i32 to vector<16xi32>
      %parallel_loop3A_143 = arith.muli %parallel_loop3A_140, %parallel_loop3A_142 : vector<16xi32>
      %parallel_loop3A_144 = arith.index_cast %parallel_loop3A_131 : i32 to index
      %parallel_loop3A_145 = tpu.vector_load %arg12[%parallel_loop3A_144] {strides = array<i32>} : memref<512xf32, #tpu.memory_space<vmem>>, vector<16xf32>,
      %parallel_loop3A_146 = arith.index_cast %parallel_loop3A_131 : i32 to index
      %parallel_loop3A_147 = tpu.vector_load %arg13[%parallel_loop3A_146] {strides = array<i32>} : memref<512xf32, #tpu.memory_space<vmem>>, vector<16xf32>,
      %parallel_loop3A_148 = arith.constant 0 : i32
      %parallel_loop3A_149 = vector.broadcast %parallel_loop3A_148 : i32 to vector<16xi32>
      %parallel_loop3A_150 = arith.addi %parallel_loop3A_138, %parallel_loop3A_149 : vector<16xi32>
      %parallel_loop3A_151 = tpu.vector_load_idx %arg14[%parallel_loop3A_150] : memref<560xf32, #tpu.memory_space<vmem>>[vector<16xi32>], vector<16xf32>,
      %parallel_loop3A_152 = arith.constant 1 : i32
      %parallel_loop3A_153 = vector.broadcast %parallel_loop3A_152 : i32 to vector<16xi32>
      %parallel_loop3A_154 = arith.addi %parallel_loop3A_138, %parallel_loop3A_153 : vector<16xi32>
      %parallel_loop3A_155 = tpu.vector_load_idx %arg14[%parallel_loop3A_154] : memref<560xf32, #tpu.memory_space<vmem>>[vector<16xi32>], vector<16xf32>,
      %parallel_loop3A_156 = arith.constant 2 : i32
      %parallel_loop3A_157 = vector.broadcast %parallel_loop3A_156 : i32 to vector<16xi32>
      %parallel_loop3A_158 = arith.addi %parallel_loop3A_138, %parallel_loop3A_157 : vector<16xi32>
      %parallel_loop3A_159 = tpu.vector_load_idx %arg14[%parallel_loop3A_158] : memref<560xf32, #tpu.memory_space<vmem>>[vector<16xi32>], vector<16xf32>,
      %parallel_loop3A_160 = arith.constant 3 : i32
      %parallel_loop3A_161 = vector.broadcast %parallel_loop3A_160 : i32 to vector<16xi32>
      %parallel_loop3A_162 = arith.addi %parallel_loop3A_138, %parallel_loop3A_161 : vector<16xi32>
      %parallel_loop3A_163 = tpu.vector_load_idx %arg14[%parallel_loop3A_162] : memref<560xf32, #tpu.memory_space<vmem>>[vector<16xi32>], vector<16xf32>,
      %parallel_loop3A_164 = arith.constant 4 : i32
      %parallel_loop3A_165 = vector.broadcast %parallel_loop3A_164 : i32 to vector<16xi32>
      %parallel_loop3A_166 = arith.addi %parallel_loop3A_138, %parallel_loop3A_165 : vector<16xi32>
      %parallel_loop3A_167 = tpu.vector_load_idx %arg14[%parallel_loop3A_166] : memref<560xf32, #tpu.memory_space<vmem>>[vector<16xi32>], vector<16xf32>,
      %parallel_loop3A_168 = arith.constant 400 : i32
      %parallel_loop3A_169 = vector.broadcast %parallel_loop3A_168 : i32 to vector<16xi32>
      %parallel_loop3A_170 = arith.addi %parallel_loop3A_143, %parallel_loop3A_169 : vector<16xi32>
      %parallel_loop3A_171 = tpu.vector_load_idx %arg14[%parallel_loop3A_170] : memref<560xf32, #tpu.memory_space<vmem>>[vector<16xi32>], vector<16xf32>,
      %parallel_loop3A_172 = arith.constant 401 : i32
      %parallel_loop3A_173 = vector.broadcast %parallel_loop3A_172 : i32 to vector<16xi32>
      %parallel_loop3A_174 = arith.addi %parallel_loop3A_143, %parallel_loop3A_173 : vector<16xi32>
      %parallel_loop3A_175 = tpu.vector_load_idx %arg14[%parallel_loop3A_174] : memref<560xf32, #tpu.memory_space<vmem>>[vector<16xi32>], vector<16xf32>,
      %parallel_loop3A_176 = arith.constant 402 : i32
      %parallel_loop3A_177 = vector.broadcast %parallel_loop3A_176 : i32 to vector<16xi32>
      %parallel_loop3A_178 = arith.addi %parallel_loop3A_143, %parallel_loop3A_177 : vector<16xi32>
      %parallel_loop3A_179 = tpu.vector_load_idx %arg14[%parallel_loop3A_178] : memref<560xf32, #tpu.memory_space<vmem>>[vector<16xi32>], vector<16xf32>,
      %parallel_loop3A_180 = arith.mulf %parallel_loop3A_145, %get3A_17 : vector<16xf32>
      %parallel_loop3A_181 = arith.mulf %parallel_loop3A_147, %get3A_19 : vector<16xf32>
      %parallel_loop3A_182 = arith.addf %parallel_loop3A_180, %parallel_loop3A_181 : vector<16xf32>
      %parallel_loop3A_183 = arith.addf %parallel_loop3A_182, %get3A_25 : vector<16xf32>
      %parallel_loop3A_184 = arith.mulf %parallel_loop3A_145, %get3A_21 : vector<16xf32>
      %parallel_loop3A_185 = arith.mulf %parallel_loop3A_147, %get3A_23 : vector<16xf32>
      %parallel_loop3A_186 = arith.addf %parallel_loop3A_184, %parallel_loop3A_185 : vector<16xf32>
      %parallel_loop3A_187 = arith.addf %parallel_loop3A_186, %get3A_27 : vector<16xf32>
      %parallel_loop3A_188 = arith.constant 5 : i32
      %parallel_loop3A_189 = vector.broadcast %parallel_loop3A_188 : i32 to vector<16xi32>
      %parallel_loop3A_190 = arith.muli %parallel_loop3A_133, %parallel_loop3A_189 : vector<16xi32>
      %parallel_loop3A_191 = arith.constant 3 : i32
      %parallel_loop3A_192 = vector.broadcast %parallel_loop3A_191 : i32 to vector<16xi32>
      %parallel_loop3A_193 = arith.muli %parallel_loop3A_133, %parallel_loop3A_192 : vector<16xi32>
      %parallel_loop3A_194 = arith.constant 2 : i32
      %parallel_loop3A_195 = vector.broadcast %parallel_loop3A_194 : i32 to vector<16xi32>
      %parallel_loop3A_196 = arith.muli %parallel_loop3A_133, %parallel_loop3A_195 : vector<16xi32>
      %parallel_loop3A_197 = arith.constant 0 : i32
      %parallel_loop3A_198 = vector.broadcast %parallel_loop3A_197 : i32 to vector<16xi32>
      %parallel_loop3A_199 = arith.addi %parallel_loop3A_190, %parallel_loop3A_198 : vector<16xi32>
      tpu.vector_store_idx %arg15[%parallel_loop3A_199], %parallel_loop3A_151 : memref<2560xf32, #tpu.memory_space<vmem>>[vector<16xi32>], vector<16xf32>,
      %parallel_loop3A_200 = arith.constant 1 : i32
      %parallel_loop3A_201 = vector.broadcast %parallel_loop3A_200 : i32 to vector<16xi32>
      %parallel_loop3A_202 = arith.addi %parallel_loop3A_190, %parallel_loop3A_201 : vector<16xi32>
      tpu.vector_store_idx %arg15[%parallel_loop3A_202], %parallel_loop3A_155 : memref<2560xf32, #tpu.memory_space<vmem>>[vector<16xi32>], vector<16xf32>,
      %parallel_loop3A_203 = arith.constant 2 : i32
      %parallel_loop3A_204 = vector.broadcast %parallel_loop3A_203 : i32 to vector<16xi32>
      %parallel_loop3A_205 = arith.addi %parallel_loop3A_190, %parallel_loop3A_204 : vector<16xi32>
      tpu.vector_store_idx %arg15[%parallel_loop3A_205], %parallel_loop3A_159 : memref<2560xf32, #tpu.memory_space<vmem>>[vector<16xi32>], vector<16xf32>,
      %parallel_loop3A_206 = arith.constant 3 : i32
      %parallel_loop3A_207 = vector.broadcast %parallel_loop3A_206 : i32 to vector<16xi32>
      %parallel_loop3A_208 = arith.addi %parallel_loop3A_190, %parallel_loop3A_207 : vector<16xi32>
      tpu.vector_store_idx %arg15[%parallel_loop3A_208], %parallel_loop3A_163 : memref<2560xf32, #tpu.memory_space<vmem>>[vector<16xi32>], vector<16xf32>,
      %parallel_loop3A_209 = arith.constant 4 : i32
      %parallel_loop3A_210 = vector.broadcast %parallel_loop3A_209 : i32 to vector<16xi32>
      %parallel_loop3A_211 = arith.addi %parallel_loop3A_190, %parallel_loop3A_210 : vector<16xi32>
      tpu.vector_store_idx %arg15[%parallel_loop3A_211], %parallel_loop3A_167 : memref<2560xf32, #tpu.memory_space<vmem>>[vector<16xi32>], vector<16xf32>,
      %parallel_loop3A_212 = arith.constant 0 : i32
      %parallel_loop3A_213 = vector.broadcast %parallel_loop3A_212 : i32 to vector<16xi32>
      %parallel_loop3A_214 = arith.addi %parallel_loop3A_193, %parallel_loop3A_213 : vector<16xi32>
      tpu.vector_store_idx %arg16[%parallel_loop3A_214], %parallel_loop3A_171 : memref<1536xf32, #tpu.memory_space<vmem>>[vector<16xi32>], vector<16xf32>,
      %parallel_loop3A_215 = arith.constant 1 : i32
      %parallel_loop3A_216 = vector.broadcast %parallel_loop3A_215 : i32 to vector<16xi32>
      %parallel_loop3A_217 = arith.addi %parallel_loop3A_193, %parallel_loop3A_216 : vector<16xi32>
      tpu.vector_store_idx %arg16[%parallel_loop3A_217], %parallel_loop3A_175 : memref<1536xf32, #tpu.memory_space<vmem>>[vector<16xi32>], vector<16xf32>,
      %parallel_loop3A_218 = arith.constant 2 : i32
      %parallel_loop3A_219 = vector.broadcast %parallel_loop3A_218 : i32 to vector<16xi32>
      %parallel_loop3A_220 = arith.addi %parallel_loop3A_193, %parallel_loop3A_219 : vector<16xi32>
      tpu.vector_store_idx %arg16[%parallel_loop3A_220], %parallel_loop3A_179 : memref<1536xf32, #tpu.memory_space<vmem>>[vector<16xi32>], vector<16xf32>,
      tpu.vector_store_idx %arg17[%parallel_loop3A_196], %parallel_loop3A_183 : memref<1024xf32, #tpu.memory_space<vmem>>[vector<16xi32>], vector<16xf32>,
      %parallel_loop3A_221 = arith.constant 1 : i32
      %parallel_loop3A_222 = vector.broadcast %parallel_loop3A_221 : i32 to vector<16xi32>
      %parallel_loop3A_223 = arith.addi %parallel_loop3A_196, %parallel_loop3A_222 : vector<16xi32>
      tpu.vector_store_idx %arg17[%parallel_loop3A_223], %parallel_loop3A_187 : memref<1024xf32, #tpu.memory_space<vmem>>[vector<16xi32>], vector<16xf32>,
    } {sc.loop_unroll_factor = 8 : i64, sc.parallel_access}
    %mul3A_63 = arith.constant 5 : i32
    %mul3A_64 = arith.muli %mul3A_2, %mul3A_63 : i32
    %add3A_65 = arith.constant 1280 : i32
    %add3A_66 = arith.addi %mul3A_64, %add3A_65 : i32
    %dma_start3A_67 = arith.constant 1280 : i32
    %dma_start3A_68 = tpu.memref_slice %arg15[%dma_start3A_67] : memref<2560xf32, #tpu.memory_space<vmem>> -> memref<1280xf32, #tpu.memory_space<vmem>>
    %dma_start3A_69 = tpu.memref_slice %arg7[%add3A_66] : memref<81920xf32, #tpu.memory_space<hbm>> -> memref<1280xf32, #tpu.memory_space<hbm>>
    %dma_start3A_70 = tpu.memref_slice %arg7[%add3A_66] : memref<81920xf32, #tpu.memory_space<hbm>> -> memref<1280xf32, #tpu.memory_space<hbm>>
    %dma_start3A_71 = arith.constant 1280 : i32
    %dma_start3A_72 = tpu.memref_slice %arg15[%dma_start3A_71] : memref<2560xf32, #tpu.memory_space<vmem>> -> memref<1280xf32, #tpu.memory_space<vmem>>
    tpu.enqueue_dma source(%dma_start3A_72 : memref<1280xf32, #tpu.memory_space<vmem>>) target(%dma_start3A_70 : memref<1280xf32, #tpu.memory_space<hbm>>) target_semaphore(%arg18 : memref<!tpu.dma_semaphore, #tpu.memory_space<semaphore_mem>>)
    %mul3A_73 = arith.constant 3 : i32
    %mul3A_74 = arith.muli %mul3A_2, %mul3A_73 : i32
    %add3A_75 = arith.constant 768 : i32
    %add3A_76 = arith.addi %mul3A_74, %add3A_75 : i32
    %dma_start3A_77 = arith.constant 768 : i32
    %dma_start3A_78 = tpu.memref_slice %arg16[%dma_start3A_77] : memref<1536xf32, #tpu.memory_space<vmem>> -> memref<768xf32, #tpu.memory_space<vmem>>
    %dma_start3A_79 = tpu.memref_slice %arg8[%add3A_76] : memref<49152xf32, #tpu.memory_space<hbm>> -> memref<768xf32, #tpu.memory_space<hbm>>
    %dma_start3A_80 = tpu.memref_slice %arg8[%add3A_76] : memref<49152xf32, #tpu.memory_space<hbm>> -> memref<768xf32, #tpu.memory_space<hbm>>
    %dma_start3A_81 = arith.constant 768 : i32
    %dma_start3A_82 = tpu.memref_slice %arg16[%dma_start3A_81] : memref<1536xf32, #tpu.memory_space<vmem>> -> memref<768xf32, #tpu.memory_space<vmem>>
    tpu.enqueue_dma source(%dma_start3A_82 : memref<768xf32, #tpu.memory_space<vmem>>) target(%dma_start3A_80 : memref<768xf32, #tpu.memory_space<hbm>>) target_semaphore(%arg18 : memref<!tpu.dma_semaphore, #tpu.memory_space<semaphore_mem>>)
    %mul3A_83 = arith.constant 2 : i32
    %mul3A_84 = arith.muli %mul3A_2, %mul3A_83 : i32
    %add3A_85 = arith.constant 512 : i32
    %add3A_86 = arith.addi %mul3A_84, %add3A_85 : i32
    %dma_start3A_87 = arith.constant 512 : i32
    %dma_start3A_88 = tpu.memref_slice %arg17[%dma_start3A_87] : memref<1024xf32, #tpu.memory_space<vmem>> -> memref<512xf32, #tpu.memory_space<vmem>>
    %dma_start3A_89 = tpu.memref_slice %arg9[%add3A_86] : memref<32768xf32, #tpu.memory_space<hbm>> -> memref<512xf32, #tpu.memory_space<hbm>>
    %dma_start3A_90 = tpu.memref_slice %arg9[%add3A_86] : memref<32768xf32, #tpu.memory_space<hbm>> -> memref<512xf32, #tpu.memory_space<hbm>>
    %dma_start3A_91 = arith.constant 512 : i32
    %dma_start3A_92 = tpu.memref_slice %arg17[%dma_start3A_91] : memref<1024xf32, #tpu.memory_space<vmem>> -> memref<512xf32, #tpu.memory_space<vmem>>
    tpu.enqueue_dma source(%dma_start3A_92 : memref<512xf32, #tpu.memory_space<vmem>>) target(%dma_start3A_90 : memref<512xf32, #tpu.memory_space<hbm>>) target_semaphore(%arg18 : memref<!tpu.dma_semaphore, #tpu.memory_space<semaphore_mem>>)
    %dma_wait3A_93 = arith.constant 0 : i32
    %dma_wait3A_94 = tpu.memref_slice %arg15[%dma_wait3A_93] : memref<2560xf32, #tpu.memory_space<vmem>> -> memref<1280xf32, #tpu.memory_space<vmem>>
    %dma_wait3A_95 = tpu.memref_slice %arg7[%add3A_33] : memref<81920xf32, #tpu.memory_space<hbm>> -> memref<1280xf32, #tpu.memory_space<hbm>>
    %dma_wait3A_96 = tpu.memref_slice %arg7[%add3A_33] : memref<81920xf32, #tpu.memory_space<hbm>> -> memref<1280xf32, #tpu.memory_space<hbm>>
    %dma_wait3A_97 = arith.constant 0 : i32
    %dma_wait3A_98 = tpu.memref_slice %arg15[%dma_wait3A_97] : memref<2560xf32, #tpu.memory_space<vmem>> -> memref<1280xf32, #tpu.memory_space<vmem>>
    tpu.wait_dma2 semaphore(%arg18 : memref<!tpu.dma_semaphore, #tpu.memory_space<semaphore_mem>>) src(%dma_wait3A_98 : memref<1280xf32, #tpu.memory_space<vmem>>) dst(%dma_wait3A_96 : memref<1280xf32, #tpu.memory_space<hbm>>)
    %dma_wait3A_99 = arith.constant 0 : i32
    %dma_wait3A_100 = tpu.memref_slice %arg16[%dma_wait3A_99] : memref<1536xf32, #tpu.memory_space<vmem>> -> memref<768xf32, #tpu.memory_space<vmem>>
    %dma_wait3A_101 = tpu.memref_slice %arg8[%add3A_43] : memref<49152xf32, #tpu.memory_space<hbm>> -> memref<768xf32, #tpu.memory_space<hbm>>
    %dma_wait3A_102 = tpu.memref_slice %arg8[%add3A_43] : memref<49152xf32, #tpu.memory_space<hbm>> -> memref<768xf32, #tpu.memory_space<hbm>>
    %dma_wait3A_103 = arith.constant 0 : i32
    %dma_wait3A_104 = tpu.memref_slice %arg16[%dma_wait3A_103] : memref<1536xf32, #tpu.memory_space<vmem>> -> memref<768xf32, #tpu.memory_space<vmem>>
    tpu.wait_dma2 semaphore(%arg18 : memref<!tpu.dma_semaphore, #tpu.memory_space<semaphore_mem>>) src(%dma_wait3A_104 : memref<768xf32, #tpu.memory_space<vmem>>) dst(%dma_wait3A_102 : memref<768xf32, #tpu.memory_space<hbm>>)
    %dma_wait3A_105 = arith.constant 0 : i32
    %dma_wait3A_106 = tpu.memref_slice %arg17[%dma_wait3A_105] : memref<1024xf32, #tpu.memory_space<vmem>> -> memref<512xf32, #tpu.memory_space<vmem>>
    %dma_wait3A_107 = tpu.memref_slice %arg9[%add3A_53] : memref<32768xf32, #tpu.memory_space<hbm>> -> memref<512xf32, #tpu.memory_space<hbm>>
    %dma_wait3A_108 = tpu.memref_slice %arg9[%add3A_53] : memref<32768xf32, #tpu.memory_space<hbm>> -> memref<512xf32, #tpu.memory_space<hbm>>
    %dma_wait3A_109 = arith.constant 0 : i32
    %dma_wait3A_110 = tpu.memref_slice %arg17[%dma_wait3A_109] : memref<1024xf32, #tpu.memory_space<vmem>> -> memref<512xf32, #tpu.memory_space<vmem>>
    tpu.wait_dma2 semaphore(%arg18 : memref<!tpu.dma_semaphore, #tpu.memory_space<semaphore_mem>>) src(%dma_wait3A_110 : memref<512xf32, #tpu.memory_space<vmem>>) dst(%dma_wait3A_108 : memref<512xf32, #tpu.memory_space<hbm>>)
    %dma_wait3A_111 = arith.constant 1280 : i32
    %dma_wait3A_112 = tpu.memref_slice %arg15[%dma_wait3A_111] : memref<2560xf32, #tpu.memory_space<vmem>> -> memref<1280xf32, #tpu.memory_space<vmem>>
    %dma_wait3A_113 = tpu.memref_slice %arg7[%add3A_66] : memref<81920xf32, #tpu.memory_space<hbm>> -> memref<1280xf32, #tpu.memory_space<hbm>>
    %dma_wait3A_114 = tpu.memref_slice %arg7[%add3A_66] : memref<81920xf32, #tpu.memory_space<hbm>> -> memref<1280xf32, #tpu.memory_space<hbm>>
    %dma_wait3A_115 = arith.constant 1280 : i32
    %dma_wait3A_116 = tpu.memref_slice %arg15[%dma_wait3A_115] : memref<2560xf32, #tpu.memory_space<vmem>> -> memref<1280xf32, #tpu.memory_space<vmem>>
    tpu.wait_dma2 semaphore(%arg18 : memref<!tpu.dma_semaphore, #tpu.memory_space<semaphore_mem>>) src(%dma_wait3A_116 : memref<1280xf32, #tpu.memory_space<vmem>>) dst(%dma_wait3A_114 : memref<1280xf32, #tpu.memory_space<hbm>>)
    %dma_wait3A_117 = arith.constant 768 : i32
    %dma_wait3A_118 = tpu.memref_slice %arg16[%dma_wait3A_117] : memref<1536xf32, #tpu.memory_space<vmem>> -> memref<768xf32, #tpu.memory_space<vmem>>
    %dma_wait3A_119 = tpu.memref_slice %arg8[%add3A_76] : memref<49152xf32, #tpu.memory_space<hbm>> -> memref<768xf32, #tpu.memory_space<hbm>>
    %dma_wait3A_120 = tpu.memref_slice %arg8[%add3A_76] : memref<49152xf32, #tpu.memory_space<hbm>> -> memref<768xf32, #tpu.memory_space<hbm>>
    %dma_wait3A_121 = arith.constant 768 : i32
    %dma_wait3A_122 = tpu.memref_slice %arg16[%dma_wait3A_121] : memref<1536xf32, #tpu.memory_space<vmem>> -> memref<768xf32, #tpu.memory_space<vmem>>
    tpu.wait_dma2 semaphore(%arg18 : memref<!tpu.dma_semaphore, #tpu.memory_space<semaphore_mem>>) src(%dma_wait3A_122 : memref<768xf32, #tpu.memory_space<vmem>>) dst(%dma_wait3A_120 : memref<768xf32, #tpu.memory_space<hbm>>)
    %dma_wait3A_123 = arith.constant 512 : i32
    %dma_wait3A_124 = tpu.memref_slice %arg17[%dma_wait3A_123] : memref<1024xf32, #tpu.memory_space<vmem>> -> memref<512xf32, #tpu.memory_space<vmem>>
    %dma_wait3A_125 = tpu.memref_slice %arg9[%add3A_86] : memref<32768xf32, #tpu.memory_space<hbm>> -> memref<512xf32, #tpu.memory_space<hbm>>
    %dma_wait3A_126 = tpu.memref_slice %arg9[%add3A_86] : memref<32768xf32, #tpu.memory_space<hbm>> -> memref<512xf32, #tpu.memory_space<hbm>>
    %dma_wait3A_127 = arith.constant 512 : i32
    %dma_wait3A_128 = tpu.memref_slice %arg17[%dma_wait3A_127] : memref<1024xf32, #tpu.memory_space<vmem>> -> memref<512xf32, #tpu.memory_space<vmem>>
    tpu.wait_dma2 semaphore(%arg18 : memref<!tpu.dma_semaphore, #tpu.memory_space<semaphore_mem>>) src(%dma_wait3A_128 : memref<512xf32, #tpu.memory_space<vmem>>) dst(%dma_wait3A_126 : memref<512xf32, #tpu.memory_space<hbm>>)
    return
  }
}

</mosaic_0001>

<sc_bundles>
// kernel: kernel.3.cloned.1.call-start
scs
__scs_entry_jumppad:
0x0: {  	(pc) =	sbr.rel $0x88, $3  }
0x1: {  	(tag) =	ssettag $0x0;
	lr =	simm.s32 $0x1  }
0x2: {  	[smem:$0x3F99] =	sst lr;
	_ =	strace $0xD0000000  }
0x3: {  	_ = 	snop  }
0x4: {  	_ = 	snop  }
0x5: {  	_ = 	snop  }
0x6: {  	_ = 	snop  }
0x7: {  	_ = 	snop  }
__scs_overlays_trampoline_lowered:
0x8: {  	[smem:$0x3FA8] =	sst s0  }
0x9: {  	[smem:$0x3FA9] =	sst s1  }
0xa: {  	[smem:$0x3FAA] =	sst s2  }
0xb: {  	[smem:$0x3FAB] =	sst s3  }
0xc: {  	[smem:$0x3FAC] =	sst s4  }
0xd: {  	[smem:$0x3FAD] =	sst s5  }
0xe: {  	[smem:$0x3FAE] =	sst s6  }
0xf: {  	[smem:$0x3FAF] =	sst s7  }
0x10: {  	[smem:$0x3FB0] =	sst s8  }
0x11: {  	[smem:$0x3FB1] =	sst s9;
	s0 =	simm.s32 @!p0 $0x0  }
0x12: {  	s1 =	sld [smem:$0x3F97];
	s0 =	simm.s32 @p0 $0x1  }
0x13: {  	[smem:$0x3FB2] =	sst s0;
	s0 =	simm.s32 @!p1 $0x0  }
0x14: {  	s2 =	sld [smem:$0x3F96];
	s0 =	simm.s32 @p1 $0x1  }
0x15: {  	[smem:$0x3FB3] =	sst s0;
	s0 =	simm.s32 @!p2 $0x0  }
0x16: {  	s3 =	sld [smem:$0x3FDB];
	s0 =	simm.s32 @p2 $0x1  }
0x17: {  	s4 =	simm.s32 $0x1BF5;
	[smem:$0x3FB5] =	sst s0  }
0x18: {  	s0 =	sld [smem:$0x3F98];
	_ =	swait.ge [sflag:s4], $0x0  }
0x19: {  	s7 =	sld [smem:$0x3F99]  }
0x1a: {  	s8 =	sadd.s32 $0xFFFFE003, lr  }
0x1b: {  	s9 =	sadd.s32 $0xFFFFFEF7, lr;
	s5 =	simm.s32 $0xFFFFFFFF;
	p2 =	slt.u32 s8, $0xFFFFF086  }
0x1c: {  	p1 =	slt.u32 s9, $0xF7A;
	s5 =	simm.s32 @!p2 $0x0  }
0x1d: {  	s5 =	simm.s32 @p1 $0x1;
	p0 =	seq.s32 s7, s2  }
0x1e: {  	s7 =	smul.u32 @!p0 $0xF7A, s2;
	p2 =	seq.s32 @!p0 s5, $0x0  }
0x1f: {  	s9 =	smul.u32 $0xF7A, s1;
	s8 =	simm.s32 @!p0 $0x1BF5;
	p2 =	por !p2, p0  }
0x20: {  	[sflag:s8] =	ssyncset.s32 @!p0 $0xFFFFF086;
	s6 =	sadd.s32 @!p0 s3, s7;
	s7 =	simm.s32 @!p0 $0x108  }
0x21: {  	s3 =	sadd.s32 s3, s9;
	s6 =	sadd.s32 @!p0 $0x88, s6;
	s7 =	simm.s32 @p2 $0x1082  }
0x22: {  	[simem:s7], [sflag:s8] =	dma.local @!p0 [hbm:s6], $0xF7A  }
0x23: {  	s9 =	sor.u32 $0xD0000000, s2;
	s6 =	simm.s32 $0x108;
	_ =	swait.ge @!p0 [sflag:s8], $0x0  }
0x24: {  	s3 =	sadd.s32 $0x88, s3;
	s6 =	simm.s32 @!p1 $0x1082;
	[sflag:s4] =	ssyncset.s32 $0xFFFFF086  }
0x25: {  	[simem:s6], [sflag:s4] =	dma.local [hbm:s3], $0xF7A  }
0x26: {  	[smem:$0x3F99] =	sst s1;
	(tag) =	ssettag s2;
	_ =	strace s9  }
0x27: {  	s1 =	sld [smem:$0x3FA9]  }
0x28: {  	s2 =	sld [smem:$0x3FAA]  }
0x29: {  	s4 =	sld [smem:$0x3FAC]  }
0x2a: {  	p0 =	seq.s32 s5, $0x0;
	s5 =	sld [smem:$0x3FAD]  }
0x2b: {  	s6 =	sld [smem:$0x3FAE]  }
0x2c: {  	s7 =	sld [smem:$0x3FAF]  }
0x2d: {  	s3 =	simm.s32 $0x108;
	s8 =	sld [smem:$0x3FB0]  }
0x2e: {  	s3 =	simm.s32 @!p0 $0x1082;
	s9 =	sld [smem:$0x3FB1]  }
0x2f: {  	lr =	sadd.s32 s0, s3;
	s0 =	sld [smem:$0x3FA8]  }
0x30: {  	s3 =	sld [smem:$0x3FAB]  }
0x31: {  	[smem:$0x3FB4] =	sst s10  }
0x32: {  	s10 =	sld [smem:$0x3FB2];
	_ =	sdelay $0x3  }
0x33: {  	p0 =	seq.s32 s10, $0x1;
	s10 =	sld [smem:$0x3FB4];
	_ =	sdelay $0x3  }
0x34: {  	[smem:$0x3FB4] =	sst s10  }
0x35: {  	s10 =	sld [smem:$0x3FB3];
	_ =	sdelay $0x3  }
0x36: {  	p1 =	seq.s32 s10, $0x1;
	s10 =	sld [smem:$0x3FB4];
	_ =	sdelay $0x3  }
0x37: {  	[smem:$0x3FB4] =	sst s10  }
0x38: {  	s10 =	sld [smem:$0x3FB5]  }
0x39: {  	_ = 	snop;
	(pc) =	sbr.ind lr, $3  }
0x3a: {  	_ = 	snop  }
0x3b: {  	_ = 	snop  }
0x3c: {  	p2 =	seq.s32 s10, $0x1;
	s10 =	sld [smem:$0x3FB4]  }
0x3d: {  	_ =	shalt  }
0x3e: {  	_ =	shalt  }
0x3f: {  	_ =	shalt  }
0x40: {  	_ =	shalt  }
0x41: {  	_ =	shalt  }
0x42: {  	_ =	shalt  }
0x43: {  	_ =	shalt  }
0x44: {  	_ =	shalt  }
0x45: {  	_ =	shalt  }
0x46: {  	_ =	shalt  }
0x47: {  	_ =	shalt  }
0x48: {  	_ =	shalt  }
0x49: {  	_ =	shalt  }
0x4a: {  	_ =	shalt  }
0x4b: {  	_ =	shalt  }
0x4c: {  	_ =	shalt  }
0x4d: {  	_ =	shalt  }
0x4e: {  	_ =	shalt  }
0x4f: {  	_ =	shalt  }
0x50: {  	_ =	shalt  }
0x51: {  	_ =	shalt  }
0x52: {  	_ =	shalt  }
0x53: {  	_ =	shalt  }
0x54: {  	_ =	shalt  }
0x55: {  	_ =	shalt  }
0x56: {  	_ =	shalt  }
0x57: {  	_ =	shalt  }
0x58: {  	_ =	shalt  }
0x59: {  	_ =	shalt  }
0x5a: {  	_ =	shalt  }
0x5b: {  	_ =	shalt  }
0x5c: {  	_ =	shalt  }
0x5d: {  	_ =	shalt  }
0x5e: {  	_ =	shalt  }
0x5f: {  	_ =	shalt  }
0x60: {  	_ =	shalt  }
0x61: {  	_ =	shalt  }
0x62: {  	_ =	shalt  }
0x63: {  	_ =	shalt  }
0x64: {  	_ =	shalt  }
0x65: {  	_ =	shalt  }
0x66: {  	_ =	shalt  }
0x67: {  	_ =	shalt  }
0x68: {  	_ =	shalt  }
0x69: {  	_ =	shalt  }
0x6a: {  	_ =	shalt  }
0x6b: {  	_ =	shalt  }
0x6c: {  	_ =	shalt  }
0x6d: {  	_ =	shalt  }
0x6e: {  	_ =	shalt  }
0x6f: {  	_ =	shalt  }
0x70: {  	_ =	shalt  }
0x71: {  	_ =	shalt  }
0x72: {  	_ =	shalt  }
0x73: {  	_ =	shalt  }
0x74: {  	_ =	shalt  }
0x75: {  	_ =	shalt  }
0x76: {  	_ =	shalt  }
0x77: {  	_ =	shalt  }
0x78: {  	_ =	shalt  }
0x79: {  	_ =	shalt  }
0x7a: {  	_ =	shalt  }
0x7b: {  	_ =	shalt  }
0x7c: {  	_ =	shalt  }
0x7d: {  	_ =	shalt  }
0x7e: {  	_ =	shalt  }
0x7f: {  	_ =	shalt  }
0x80: {  	_ =	shalt  }
0x81: {  	_ =	shalt  }
0x82: {  	_ =	shalt  }
0x83: {  	_ =	shalt  }
0x84: {  	_ =	shalt  }
0x85: {  	_ =	shalt  }
0x86: {  	_ =	shalt  }
0x87: {  	_ =	shalt  }
.Lfunc_end0:
.L_simem_size_0:
called_computation_lowered:
.L_overlay_start_0:
0x88: {  	s2 =	sld [smem:$0x3FD9]  }
0x89: {  	s3 =	sld [smem:$0x3FFE];
	_ =	sdelay $0x1  }
0x8a: {  	s1 =	srdreg.scid  }
0x8b: {  	s0 =	sand.u32 $0x1, s1  }
0x8c: {  	s14 =	sshll.u32 s0, $0xA;
	s2 =	sadd.s32 s3, s2  }
0x8d: {  	s2 =	sadd.s32 s2, s14  }
0x8e: {  	[smem:$0x3FC0] =	sst s2  }
0x8f: {  	_ = 	snop  }
0x90: {  	s2 =	sld [smem:$0x3FC9]  }
0x91: {  	s15 =	sld [smem:$0x3FD0]  }
0x92: {  	s4 =	sld [smem:$0x3FC8]  }
0x93: {  	s5 =	sld [smem:$0x3FC7]  }
0x94: {  	s7 =	simm.s32 $0xA;
	s8 =	simm.s32 $0x10;
	s6 =	sld [smem:$0x3FC6]  }
0x95: {  	[smem:s8], [sflag:s7] =	dma.local [hbm:s15], $0x1  }
0x96: {  	_ =	swait.eq [sflag:s7], $0x1  }
0x97: {  	s16 =	sld [smem:$0x10];
	[sflag:s7] =	ssyncset.done $0x0  }
0x98: {  	s17 =	sld [smem:$0x11];
	[sflag:s7] =	ssyncadd.s32 $0xFFFFFFFF  }
0x99: {  	s18 =	sld [smem:$0x12];
	(tm) =	ssettm $0x1  }
0x9a: {  	s9 =	sld [smem:$0x3FFB];
	_ =	sdelay $0x3  }
0x9b: {  	_ =	strace s9  }
0x9c: {  	s9 =	sld [smem:$0x3FFC];
	_ =	sdelay $0x3  }
0x9d: {  	_ =	strace s9  }
0x9e: {  	s9 =	sld [smem:$0x3FFD];
	_ =	sdelay $0x3  }
0x9f: {  	_ =	strace s9  }
0xa0: {  	_ =	strace $0x8FFFFFFF  }
0xa1: {  	s19 =	sld [smem:$0x3FDB];
	_ =	sdelay $0x1  }
0xa2: {  	s10 =	simm.s32 $_scs_section_size  }
0xa3: {  	s11 =	simm.s32 $_size__tile_overlayer_lowered;
	s12 =	simm.s32 $_tile_overlayer_lowered  }
0xa4: {  	s22 =	simm.s32 $0x1BFF;
	s21 =	sshll.u32 s12, $0x1;
	s9 =	sadd.s32 s10, s19  }
0xa5: {  	s13 =	simm.s32 $0x0;
	s20 =	sshll.u32 s11, $0x1;
	s11 =	sadd.s32 s21, s9  }
0xa6: {  	[timem:s13], [sflag:s22] =	dma.local [hbm:s11], s20  }
0xa7: {  	_ =	swait.ge [sflag:s22], s20  }
0xa8: {  	s10 =	ssub.s32 $0x0, s20;
	[sflag:s22] =	ssyncset.done $0x0  }
0xa9: {  	[sflag:s22] =	ssyncadd.s32 s10;
	_ =	sdelay $0x1  }
0xaa: {  	s23 =	simm.s32 $0x1B8B  }
0xab: {  	_ =	swait.ge [sflag:s23], $0x1  }
0xac: {  	[sflag:s23] =	ssyncset.done $0x0  }
0xad: {  	s25 =	simm.s32 $0x1B8E;
	s24 =	sld [smem:$0x3FFE];
	[sflag:s23] =	ssyncadd.s32 $0xFFFFFFFF  }
0xae: {  	s26 =	simm.s32 $execute0_lowered;
	[smem:$0x3FD2] =	sst s25  }
0xaf: {  	s11 =	sshll.u32 s26, $0x1;
	_ =	strace $0x80000046;
	[dreg:$0x1] =	wrdreg $0xFFFFFFFF  }
0xb0: {  	s28 =	simm.s32 $_size_execute0_lowered;
	s9 =	sadd.s32 s9, s11;
	[dreg:$0x0] =	wrdreg $0x0  }
0xb1: {  	s11 =	sshll.u32 s28, $0x1;
	[dreg:$0x2] =	wrdreg s9  }
0xb2: {  	[dreg:$0x3] =	wrdreg s11  }
0xb3: {  	[dreg:$0x4] =	wrdreg $0xC0  }
0xb4: {  	_ =	task [dreg:s13], $0x5FFFF  }
0xb5: {  	[dreg:$0x1] =	wrdreg $0xFFFFFFFF  }
0xb6: {  	[dreg:$0x0] =	wrdreg $0x60  }
0xb7: {  	[dreg:$0x2] =	wrdreg s2  }
0xb8: {  	[dreg:$0x3] =	wrdreg s4  }
0xb9: {  	[dreg:$0x4] =	wrdreg s5  }
0xba: {  	[dreg:$0x5] =	wrdreg s6  }
0xbb: {  	[dreg:$0x6] =	wrdreg s24  }
0xbc: {  	[dreg:$0x7] =	wrdreg s16  }
0xbd: {  	[dreg:$0x8] =	wrdreg s17  }
0xbe: {  	[dreg:$0x9] =	wrdreg s18  }
0xbf: {  	[dreg:$0xa] =	wrdreg $0x9  }
0xc0: {  	_ =	task.clear_ibuf [dreg:s13], $0xBFFFF;
	_ =	strace $0x90000046  }
0xc1: {  	s29 =	simm.s32 $0x9;
	_ =	strace $0x80000048  }
0xc2: {  	_ =	swait.ge [sflag:s29], $0x1  }
0xc3: {  	[sflag:s29] =	ssyncadd.s32 $0xFFFFFFFF  }
0xc4: {  	_ =	strace $0x90000048  }
0xc5: {  	_ =	sfence  }
0xc6: {  	s30 =	sld [smem:$0x0];
	_ =	sdelay $0x2  }
0xc7: {  	s31 =	sshll.u32 s1, $0xD;
	s1 =	sshrl.u32 s1, $0x2  }
0xc8: {  	s3 =	sand.u32 $0x4000, s31;
	s1 =	sadd.s32 s1, s30  }
0xc9: {  	s0 =	sor.u32 s3, s0;
	s1 =	sshll.u32 s1, $0x11  }
0xca: {  	s0 =	sor.u32 s1, s0  }
0xcb: {  	s0 =	sadd.s32 $0x8F2B, s0  }
0xcc: {  	[sflag:s0] =	ssyncadd.remote.s32 $0x1  }
0xcd: {  	_ =	sfence.sel $0xFFFF  }
0xce: {  	[dreg:$0x0] =	wrdreg $0xFFFFFFFF;
	(pc) =	sbr.abs _section_cstart, $3  }
0xcf: {  	[dreg:$0x1] =	wrdreg $0xFFFFFFFF  }
0xd0: {  	_ =	task.clear_ibuf [dreg:s13], $0x2FFFF;
	_ =	strace $0x9FFFFFFF  }
0xd1: {  	(tm) =	ssettm $0x7FFFFFFF  }
tec
execute0_lowered:
.L_overlay_start_1:
0x0: {  	(tag) =	ssettag $0x1  }
0x1: {  	s0 =	rddreg [dreg:$0x0]  }
0x2: {  	s1 =	rddreg [dreg:$0x1]  }
0x3: {  	s6 =	rddreg [dreg:$0x2]  }
0x4: {  	s7 =	rddreg [dreg:$0x3]  }
0x5: {  	s3 =	rddreg [dreg:$0x4]  }
0x6: {  	s8 =	rddreg [dreg:$0x5]  }
0x7: {  	s9 =	rddreg [dreg:$0x6]  }
0x8: {  	s10 =	rddreg [dreg:$0x7];
	s2 =	simm.s32 $0x0  }
0x9: {  	s4 =	srdreg.scid;
	s11 =	stileid.u32;
	s16 =	simm.s32 $0x400  }
0xa: {  	s17 =	simm.s32 $0x600;
	s18 =	simm.s32 $0x800;
	s19 =	simm.s32 $0x1  }
0xb: {  	s20 =	simm.s32 $0xA80;
	s21 =	simm.s32 $0x1480;
	s22 =	simm.s32 $0x1A80  }
0xc: {  	s23 =	simm.s32 $0xF80;
	s24 =	simm.s32 $0x1780;
	s25 =	simm.s32 $0x1C80  }
0xd: {  	s26 =	simm.s32 $0x0;
	s4 =	sand.u32 $0x1, s4;
	s11 =	sshll.u32 s11, $0x1  }
0xe: {  	[smem:$0x7FF] =	sst s2;
	s3 =	sadd.s32 $0xC00, s3;
	s11 =	sor.u32 s4, s11  }
0xf: {  	_ =	strace $0x80000047;
	s5 =	ssub.s32 $0x2, s4;
	s13 =	smul.u32 $0xA00, s11  }
0x10: {  	s12 =	sshrl.u32 s5, $0x1;
	s28 =	sshll.u32 s11, $0x6;
	s29 =	smul.u32 $0x600, s11  }
0x11: {  	s31 =	sshll.u32 s11, $0x7;
	s14 =	ssub.s32 s5, s12;
	s4 =	sadd.s32 s0, s28  }
0x12: {  	s5 =	sadd.s32 s1, s28;
	s6 =	sadd.s32 s6, s28;
	s7 =	sadd.s32 s7, s28  }
0x13: {  	s10 =	sadd.s32 s10, s31;
	s30 =	sshrl.u32 s13, $0x3;
	s0 =	sshrl.u32 s29, $0x3  }
0x14: {  	s13 =	sadd.s32 $0x40, s10;
	s8 =	sadd.s32 s8, s30;
	s9 =	sadd.s32 s9, s0  }
0x15: {  	v0 =	vlaneseq.u32;
	s14 =	smax.u32 s14, $0x1;
	s11 =	sadd.s32 $0xA0, s8;
	s12 =	sadd.s32 $0x60, s9  }
.LBB2_1:
0x16: {  	[tilespmem:s2], [sflag:$0x1] =	stream.linear.gather [hbm4b:s4+s2], $0x200, $0x38;
	[tilespmem:$0x1E80] =	vst v63  }
0x17: {  	s0 =	simm.s32 $0x200  }
0x18: {  	[tilespmem:s0], [sflag:$0x1] =	stream.linear.gather [hbm4b:s5+s2], $0x200, $0x38;
	[tilespmem:$0x1E80] =	vst v63  }
0x19: {  	_ = 	snop  }
0x1a: {  	[tilespmem:s16], [sflag:$0x1] =	stream.linear.gather [hbm4b:s6+s2], $0x200, $0x38;
	[tilespmem:$0x1E80] =	vst v63  }
0x1b: {  	_ = 	snop  }
0x1c: {  	[tilespmem:s17], [sflag:$0x1] =	stream.linear.gather [hbm4b:s7+s2], $0x200, $0x38;
	[tilespmem:$0x1E80] =	vst v63  }
0x1d: {  	_ = 	snop  }
0x1e: {  	[tilespmem:s18], [sflag:$0x1] =	stream.linear.gather [hbm4b:s3+s2], $0x280, $0x38;
	[tilespmem:$0x1E80] =	vst v63  }
0x1f: {  	_ =	swait.ge [sflag:s19], $0x200  }
0x20: {  	[sflag:s19] =	ssyncset.done $0x0  }
0x21: {  	[sflag:s19] =	ssyncadd.s32 $0xFFFFFE00  }
0x22: {  	_ =	swait.ge [sflag:s19], $0x200  }
0x23: {  	[sflag:s19] =	ssyncset.done $0x0  }
0x24: {  	[sflag:s19] =	ssyncadd.s32 $0xFFFFFE00  }
0x25: {  	_ =	swait.ge [sflag:s19], $0x200  }
0x26: {  	[sflag:s19] =	ssyncset.done $0x0  }
0x27: {  	[sflag:s19] =	ssyncadd.s32 $0xFFFFFE00  }
0x28: {  	_ =	swait.ge [sflag:s19], $0x200  }
0x29: {  	[sflag:s19] =	ssyncset.done $0x0  }
0x2a: {  	[sflag:s19] =	ssyncadd.s32 $0xFFFFFE00  }
0x2b: {  	_ =	swait.ge [sflag:s19], $0x280  }
0x2c: {  	[sflag:s19] =	ssyncset.done $0x0  }
0x2d: {  	[sflag:s19] =	ssyncadd.s32 $0xFFFFFD80  }
0x2e: {  	v1 =	vld [tilespmem:$0x9D0]  }
0x2f: {  	v2 =	vld [tilespmem:$0x9E0]  }
0x30: {  	v3 =	vld [tilespmem:$0x9F0]  }
0x31: {  	v4 =	vld [tilespmem:$0xA00]  }
0x32: {  	v5 =	vld [tilespmem:$0xA10]  }
0x33: {  	p0 =	por $0x1, $0x1;
	s0 =	simm.s32 $0x0;
	v6 =	vld [tilespmem:$0xA20]  }
.LBB2_2:
0x34: {  	v7 =	vld [tilespmem:s0+$0x0]  }
0x35: {  	v8 =	vld [tilespmem:s0+$0x200]  }
0x36: {  	v10 =	vld [tilespmem:s0+$0x400]  }
0x37: {  	v12 =	vld [tilespmem:s0+$0x600]  }
0x38: {  	v18 =	vld [tilespmem:s0+$0x210]  }
0x39: {  	v20 =	vld [tilespmem:s0+$0x410]  }
0x3a: {  	v22 =	vld [tilespmem:s0+$0x610];
	v7 =	vmul.u32 $0x5, v7  }
0x3b: {  	s1 =	sor.u32 $0x10, s0;
	v37 =	vld [tilespmem:s0+$0x220]  }
0x3c: {  	v15 =	vld [tilespmem:s1+$0x0];
	v9 =	vadd.s32 $0x1, v7  }
0x3d: {  	s28 =	sor.u32 $0x20, s0;
	v63 =	vld [tilespmem:s0+$0x230];
	v8 =	vmul.u32 $0x3, v8;
	v11 =	vadd.s32 $0x2, v7  }
0x3e: {  	s31 =	sor.u32 $0x30, s0;
	v27 =	vld [tilespmem:s28+$0x0];
	v13 =	vadd.s32 $0x3, v7  }
0x3f: {  	v53 =	vld [tilespmem:s31+$0x0];
	v16 =	vadd.s32 $0x190, v8  }
0x40: {  	v17 =	vadd.s32 $0x191, v8;
	v14 =	vld.idx.msk [tilespmem:v7+s18+$0x0], $0xffff  }
0x41: {  	v18 =	vmul.u32 $0x3, v18;
	v15 =	vmul.u32 $0x5, v15;
	v8 =	vadd.s32 $0x192, v8;
	v9 =	vld.idx.msk [tilespmem:v9+s18+$0x0], $0xffff  }
0x42: {  	v11 =	vld.idx.msk [tilespmem:v11+s18+$0x0], $0xffff  }
0x43: {  	v25 =	vor.u32 s0, v0;
	v26 =	vadd.s32 $0x190, v18;
	v13 =	vld.idx.msk [tilespmem:v13+s18+$0x0], $0xffff  }
0x44: {  	v28 =	vmul.u32 $0x5, v25;
	v29 =	vadd.s32 $0x191, v18;
	v18 =	vadd.s32 $0x192, v18;
	v16 =	vld.idx.msk [tilespmem:v16+s18+$0x0], $0xffff  }
0x45: {  	v50 =	vmul.u32 $0x3, v37;
	v27 =	vmul.u32 $0x5, v27;
	v7 =	vadd.s32 $0x4, v7;
	v17 =	vld.idx.msk [tilespmem:v17+s18+$0x0], $0xffff  }
0x46: {  	v35 =	vmul.u32 $0x3, v25;
	v8 =	vld.idx.msk [tilespmem:v8+s18+$0x0], $0xffff  }
0x47: {  	v30 =	vadd.s32 $0x1, v28;
	v31 =	vadd.s32 $0x2, v28;
	v54 =	vadd.s32 $0x190, v50;
	v24 =	vld.idx.msk [tilespmem:v15+s18+$0x0], $0xffff  }
0x48: {  	v33 =	vadd.s32 $0x3, v28;
	v36 =	vadd.s32 $0x4, v28;
	v19 =	vadd.s32 $0x1, v15;
	v26 =	vld.idx.msk [tilespmem:v26+s18+$0x0], $0xffff  }
0x49: {  	v32 =	vmul.f32 v10, v1;
	v34 =	vmul.f32 v12, v2;
	v21 =	vadd.s32 $0x2, v15;
	v18 =	vld.idx.msk [tilespmem:v18+s18+$0x0], $0xffff  }
0x4a: {  	v10 =	vmul.f32 v10, v3;
	v12 =	vmul.f32 v12, v4;
	v23 =	vadd.s32 $0x3, v15;
	v7 =	vld.idx.msk [tilespmem:v7+s18+$0x0], $0xffff  }
0x4b: {  	v44 =	vadd.f32 v34, v32;
	v34 =	vld.idx.msk [tilespmem:v27+s18+$0x0], $0xffff;
	[tilespmem:v28+s20+$0x0] =	vst.idx.msk $0xffff, v14  }
0x4c: {  	v45 =	vadd.s32 $0x1, v35;
	v10 =	vadd.f32 v12, v10;
	v12 =	vld.idx.msk [tilespmem:v54+s18+$0x0], $0xffff;
	[tilespmem:v30+s20+$0x0] =	vst.idx.msk $0xffff, v9  }
0x4d: {  	v25 =	vshll.u32 v25, $0x1;
	v47 =	vadd.s32 $0x2, v35;
	v15 =	vadd.s32 $0x4, v15;
	v19 =	vld.idx.msk [tilespmem:v19+s18+$0x0], $0xffff;
	[tilespmem:v31+s20+$0x0] =	vst.idx.msk $0xffff, v11  }
0x4e: {  	v51 =	vor.u32 $0x1, v25;
	v21 =	vld.idx.msk [tilespmem:v21+s18+$0x0], $0xffff;
	[tilespmem:v33+s20+$0x0] =	vst.idx.msk $0xffff, v13  }
0x4f: {  	v46 =	vadd.s32 $0x1, v27;
	v48 =	vadd.s32 $0x2, v27;
	v23 =	vld.idx.msk [tilespmem:v23+s18+$0x0], $0xffff;
	[tilespmem:v36+s20+$0x0] =	vst.idx.msk $0xffff, v7;
	v7 =	vor.u32 s1, v0  }
0x50: {  	v49 =	vadd.s32 $0x3, v27;
	v27 =	vadd.s32 $0x4, v27;
	v14 =	vld.idx.msk [tilespmem:v29+s18+$0x0], $0xffff;
	[tilespmem:v35+s21+$0x0] =	vst.idx.msk $0xffff, v16;
	v52 =	vmul.u32 $0x5, v7  }
0x51: {  	v29 =	vld [tilespmem:s0+$0x430];
	[tilespmem:v45+s21+$0x0] =	vst.idx.msk $0xffff, v17  }
0x52: {  	v28 =	vadd.f32 v44, v5;
	v15 =	vld.idx.msk [tilespmem:v15+s18+$0x0], $0xffff;
	[tilespmem:v47+s21+$0x0] =	vst.idx.msk $0xffff, v8;
	v8 =	vadd.s32 $0x1, v52  }
0x53: {  	v10 =	vadd.f32 v10, v6;
	v44 =	vmul.u32 $0x3, v63;
	v30 =	vld [tilespmem:s0+$0x420];
	v56 =	vadd.s32 $0x2, v52  }
0x54: {  	v55 =	vadd.s32 $0x191, v50;
	v9 =	vld.idx.msk [tilespmem:v46+s18+$0x0], $0xffff;
	v60 =	vadd.s32 $0x3, v52;
	[tilespmem:v25+s22+$0x0] =	vst.idx.msk $0xffff, v28  }
0x55: {  	v27 =	vld.idx.msk [tilespmem:v27+s18+$0x0], $0xffff;
	v54 =	vadd.s32 $0x191, v44;
	v61 =	vmul.u32 $0x3, v7;
	v62 =	vadd.s32 $0x4, v52;
	[tilespmem:v51+s22+$0x0] =	vst.idx.msk $0xffff, v10  }
0x56: {  	v41 =	vor.u32 s28, v0;
	v11 =	vld.idx.msk [tilespmem:v48+s18+$0x0], $0xffff;
	[tilespmem:v52+s20+$0x0] =	vst.idx.msk $0xffff, v24  }
0x57: {  	v43 =	vmul.u32 $0x5, v41;
	v58 =	vmul.f32 v20, v1;
	v13 =	vld [tilespmem:s0+$0x620];
	[tilespmem:v8+s20+$0x0] =	vst.idx.msk $0xffff, v19;
	v8 =	vadd.s32 $0x1, v61  }
0x58: {  	v59 =	vmul.f32 v22, v2;
	v57 =	vadd.s32 $0x192, v50;
	v33 =	vld [tilespmem:s0+$0x630];
	v36 =	vmul.u32 $0x5, v53;
	[tilespmem:v56+s20+$0x0] =	vst.idx.msk $0xffff, v21  }
0x59: {  	v20 =	vmul.f32 v20, v3;
	v17 =	vld.idx.msk [tilespmem:v55+s18+$0x0], $0xffff;
	v38 =	vadd.s32 $0x2, v61;
	[tilespmem:v60+s20+$0x0] =	vst.idx.msk $0xffff, v23  }
0x5a: {  	v22 =	vmul.f32 v22, v4;
	v7 =	vshll.u32 v7, $0x1;
	v16 =	vadd.s32 $0x192, v44;
	v63 =	vld.idx.msk [tilespmem:v54+s18+$0x0], $0xffff;
	[tilespmem:v62+s20+$0x0] =	vst.idx.msk $0xffff, v15  }
0x5b: {  	s15 =	sor.u32 $0x40, s0;
	v31 =	vadd.f32 v59, v58;
	v40 =	vor.u32 $0x1, v7;
	v42 =	vadd.s32 $0x2, v36;
	v28 =	vld.idx.msk [tilespmem:v49+s18+$0x0], $0xffff;
	[tilespmem:v61+s21+$0x0] =	vst.idx.msk $0xffff, v26  }
0x5c: {  	v20 =	vadd.f32 v22, v20;
	v49 =	vld [tilespmem:s15+$0x0];
	[tilespmem:v8+s21+$0x0] =	vst.idx.msk $0xffff, v14;
	v8 =	vadd.s32 $0x1, v43  }
0x5d: {  	v50 =	vadd.s32 $0x2, v43;
	v47 =	vadd.f32 v31, v5;
	v21 =	vld.idx.msk [tilespmem:v57+s18+$0x0], $0xffff;
	[tilespmem:v43+s20+$0x0] =	vst.idx.msk $0xffff, v34  }
0x5e: {  	v20 =	vadd.f32 v20, v6;
	v39 =	vadd.s32 $0x1, v36;
	v10 =	vld.idx.msk [tilespmem:v36+s18+$0x0], $0xffff;
	v52 =	vadd.s32 $0x3, v43;
	[tilespmem:v38+s21+$0x0] =	vst.idx.msk $0xffff, v18  }
0x5f: {  	v45 =	vadd.s32 $0x3, v36;
	v55 =	vmul.u32 $0x3, v41;
	v16 =	vld.idx.msk [tilespmem:v16+s18+$0x0], $0xffff;
	v56 =	vadd.s32 $0x4, v43;
	[tilespmem:v7+s22+$0x0] =	vst.idx.msk $0xffff, v47  }
0x60: {  	v48 =	vadd.s32 $0x190, v44;
	v46 =	vadd.s32 $0x4, v36;
	v53 =	vld.idx.msk [tilespmem:v42+s18+$0x0], $0xffff;
	[tilespmem:v40+s22+$0x0] =	vst.idx.msk $0xffff, v20  }
0x61: {  	s29 =	sor.u32 $0x50, s0;
	v59 =	vadd.s32 $0x2, v55;
	v58 =	vmul.u32 $0x5, v49;
	v60 =	vld [tilespmem:s0+$0x240];
	[tilespmem:v8+s20+$0x0] =	vst.idx.msk $0xffff, v9;
	v8 =	vadd.s32 $0x1, v55  }
0x62: {  	v42 =	vld [tilespmem:s29+$0x0];
	v57 =	vmul.f32 v13, v2;
	v62 =	vor.u32 s31, v0;
	v7 =	vmul.f32 v30, v1;
	[tilespmem:v50+s20+$0x0] =	vst.idx.msk $0xffff, v11  }
0x63: {  	v51 =	vld.idx.msk [tilespmem:v39+s18+$0x0], $0xffff;
	v39 =	vadd.s32 $0x2, v58;
	v61 =	vshll.u32 v41, $0x1;
	v37 =	vmul.u32 $0x5, v62;
	[tilespmem:v52+s20+$0x0] =	vst.idx.msk $0xffff, v28  }
0x64: {  	v35 =	vld.idx.msk [tilespmem:v45+s18+$0x0], $0xffff;
	v13 =	vmul.f32 v13, v4;
	v7 =	vadd.f32 v57, v7;
	[tilespmem:v56+s20+$0x0] =	vst.idx.msk $0xffff, v27  }
0x65: {  	v22 =	vld.idx.msk [tilespmem:v46+s18+$0x0], $0xffff;
	v14 =	vadd.s32 $0x4, v58;
	v38 =	vadd.s32 $0x1, v58;
	v41 =	vadd.s32 $0x1, v37;
	[tilespmem:v55+s21+$0x0] =	vst.idx.msk $0xffff, v12  }
0x66: {  	s30 =	sor.u32 $0x60, s0;
	v25 =	vld [tilespmem:s0+$0x450];
	v30 =	vmul.f32 v30, v3;
	v15 =	vmul.u32 $0x3, v60;
	v7 =	vadd.f32 v7, v5;
	[tilespmem:v8+s21+$0x0] =	vst.idx.msk $0xffff, v17  }
0x67: {  	v36 =	vor.u32 $0x1, v61;
	v18 =	vmul.u32 $0x5, v42;
	v42 =	vld [tilespmem:s30+$0x0];
	[tilespmem:v59+s21+$0x0] =	vst.idx.msk $0xffff, v21  }
0x68: {  	v20 =	vld.idx.msk [tilespmem:v39+s18+$0x0], $0xffff;
	v13 =	vadd.f32 v13, v30;
	v45 =	vadd.s32 $0x190, v15;
	[tilespmem:v61+s22+$0x0] =	vst.idx.msk $0xffff, v7;
	v7 =	vadd.s32 $0x2, v37  }
0x69: {  	v43 =	vadd.s32 $0x3, v37;
	v9 =	vld.idx.msk [tilespmem:v48+s18+$0x0], $0xffff  }
0x6a: {  	v46 =	vmul.u32 $0x3, v62;
	v47 =	vadd.s32 $0x4, v37;
	[tilespmem:v37+s20+$0x0] =	vst.idx.msk $0xffff, v10;
	v14 =	vld.idx.msk [tilespmem:v14+s18+$0x0], $0xffff;
	v13 =	vadd.f32 v13, v6  }
0x6b: {  	v54 =	vor.u32 s15, v0;
	v44 =	vld.idx.msk [tilespmem:v38+s18+$0x0], $0xffff;
	[tilespmem:v41+s20+$0x0] =	vst.idx.msk $0xffff, v51  }
0x6c: {  	v40 =	vadd.s32 $0x3, v58;
	v48 =	vadd.s32 $0x191, v15;
	v51 =	vadd.s32 $0x1, v46;
	v12 =	vld [tilespmem:s0+$0x440];
	[tilespmem:v36+s22+$0x0] =	vst.idx.msk $0xffff, v13  }
0x6d: {  	v15 =	vadd.s32 $0x192, v15;
	v56 =	vmul.u32 $0x5, v54;
	v28 =	vld.idx.msk [tilespmem:v45+s18+$0x0], $0xffff;
	[tilespmem:v7+s20+$0x0] =	vst.idx.msk $0xffff, v53;
	v7 =	vadd.s32 $0x2, v46  }
0x6e: {  	v49 =	vmul.f32 v29, v1;
	v21 =	vld.idx.msk [tilespmem:v58+s18+$0x0], $0xffff;
	[tilespmem:v43+s20+$0x0] =	vst.idx.msk $0xffff, v35  }
0x6f: {  	v29 =	vmul.f32 v29, v3;
	v50 =	vmul.f32 v33, v2;
	v60 =	vadd.s32 $0x1, v56;
	v53 =	vld [tilespmem:s0+$0x250];
	[tilespmem:v47+s20+$0x0] =	vst.idx.msk $0xffff, v22  }
0x70: {  	v24 =	vshll.u32 v62, $0x1;
	v39 =	vmul.u32 $0x3, v54;
	v52 =	vmul.f32 v33, v4;
	v8 =	vld [tilespmem:s0+$0x640];
	[tilespmem:v46+s21+$0x0] =	vst.idx.msk $0xffff, v9  }
0x71: {  	v31 =	vadd.f32 v50, v49;
	v55 =	vor.u32 $0x1, v24;
	v17 =	vld.idx.msk [tilespmem:v40+s18+$0x0], $0xffff;
	v59 =	vadd.s32 $0x1, v18;
	[tilespmem:v51+s21+$0x0] =	vst.idx.msk $0xffff, v63  }
0x72: {  	v19 =	vadd.f32 v52, v29;
	v58 =	vld.idx.msk [tilespmem:v15+s18+$0x0], $0xffff;
	v61 =	vadd.s32 $0x2, v18;
	[tilespmem:v7+s21+$0x0] =	vst.idx.msk $0xffff, v16;
	v7 =	vadd.s32 $0x2, v56  }
0x73: {  	v57 =	vadd.f32 v31, v5;
	v40 =	vadd.s32 $0x4, v56;
	v37 =	vadd.s32 $0x3, v56;
	v22 =	vld.idx.msk [tilespmem:v48+s18+$0x0], $0xffff;
	[tilespmem:v56+s20+$0x0] =	vst.idx.msk $0xffff, v21  }
0x74: {  	v26 =	vld [tilespmem:s0+$0x650];
	v19 =	vadd.f32 v19, v6;
	[tilespmem:v60+s20+$0x0] =	vst.idx.msk $0xffff, v44;
	v63 =	vadd.s32 $0x3, v18;
	v62 =	vmul.u32 $0x3, v53  }
0x75: {  	v38 =	vld.idx.msk [tilespmem:v18+s18+$0x0], $0xffff;
	v49 =	vshll.u32 v54, $0x1;
	v54 =	vmul.u32 $0x5, v42;
	v18 =	vadd.s32 $0x4, v18;
	[tilespmem:v24+s22+$0x0] =	vst.idx.msk $0xffff, v57  }
0x76: {  	v15 =	vld.idx.msk [tilespmem:v59+s18+$0x0], $0xffff;
	v48 =	vor.u32 s29, v0;
	v44 =	vadd.s32 $0x1, v39;
	[tilespmem:v55+s22+$0x0] =	vst.idx.msk $0xffff, v19;
	v41 =	vadd.s32 $0x190, v62  }
0x77: {  	v45 =	vld.idx.msk [tilespmem:v61+s18+$0x0], $0xffff;
	v53 =	vmul.u32 $0x5, v48;
	v46 =	vadd.s32 $0x191, v62;
	[tilespmem:v7+s20+$0x0] =	vst.idx.msk $0xffff, v20;
	v7 =	vadd.s32 $0x2, v39  }
0x78: {  	v36 =	vmul.f32 v12, v1;
	v43 =	vmul.f32 v8, v2;
	v16 =	vadd.s32 $0x192, v62;
	v55 =	vld [tilespmem:s0+$0x260];
	[tilespmem:v37+s20+$0x0] =	vst.idx.msk $0xffff, v17  }
0x79: {  	v12 =	vmul.f32 v12, v3;
	v8 =	vmul.f32 v8, v4;
	v47 =	vld.idx.msk [tilespmem:v63+s18+$0x0], $0xffff;
	[tilespmem:v40+s20+$0x0] =	vst.idx.msk $0xffff, v14  }
0x7a: {  	v21 =	vadd.f32 v43, v36;
	v60 =	vadd.s32 $0x1, v54;
	v51 =	vor.u32 $0x1, v49;
	v50 =	vld.idx.msk [tilespmem:v18+s18+$0x0], $0xffff;
	[tilespmem:v39+s21+$0x0] =	vst.idx.msk $0xffff, v28  }
0x7b: {  	v8 =	vadd.f32 v8, v12;
	v57 =	vadd.s32 $0x1, v53;
	v52 =	vld.idx.msk [tilespmem:v41+s18+$0x0], $0xffff;
	[tilespmem:v44+s21+$0x0] =	vst.idx.msk $0xffff, v22  }
0x7c: {  	v21 =	vadd.f32 v21, v5;
	v59 =	vadd.s32 $0x2, v53;
	v56 =	vld.idx.msk [tilespmem:v46+s18+$0x0], $0xffff;
	[tilespmem:v7+s21+$0x0] =	vst.idx.msk $0xffff, v58  }
0x7d: {  	v8 =	vadd.f32 v8, v6;
	v62 =	vadd.s32 $0x3, v53;
	v63 =	vadd.s32 $0x2, v54;
	v7 =	vld.idx.msk [tilespmem:v16+s18+$0x0], $0xffff;
	[tilespmem:v53+s20+$0x0] =	vst.idx.msk $0xffff, v38  }
0x7e: {  	v30 =	vld [tilespmem:s0+$0x660];
	v36 =	vadd.s32 $0x4, v53;
	[tilespmem:v49+s22+$0x0] =	vst.idx.msk $0xffff, v21  }
0x7f: {  	s31 =	sor.u32 $0x70, s0;
	v42 =	vld.idx.msk [tilespmem:v60+s18+$0x0], $0xffff;
	v37 =	vadd.s32 $0x3, v54;
	v10 =	vmul.u32 $0x3, v55;
	[tilespmem:v51+s22+$0x0] =	vst.idx.msk $0xffff, v8;
	v8 =	vmul.u32 $0x3, v48  }
0x80: {  	v61 =	vmul.f32 v26, v2;
	v40 =	vld [tilespmem:s31+$0x0];
	[tilespmem:v57+s20+$0x0] =	vst.idx.msk $0xffff, v15  }
0x81: {  	v19 =	vadd.s32 $0x4, v54;
	v18 =	vor.u32 s30, v0;
	v28 =	vld [tilespmem:s0+$0x460];
	v43 =	vadd.s32 $0x190, v10;
	[tilespmem:v59+s20+$0x0] =	vst.idx.msk $0xffff, v45  }
0x82: {  	v46 =	vld.idx.msk [tilespmem:v63+s18+$0x0], $0xffff;
	v58 =	vmul.f32 v25, v1;
	[tilespmem:v62+s20+$0x0] =	vst.idx.msk $0xffff, v47;
	v47 =	vadd.s32 $0x191, v10;
	v39 =	vadd.s32 $0x1, v8  }
0x83: {  	v38 =	vld.idx.msk [tilespmem:v54+s18+$0x0], $0xffff;
	v10 =	vadd.s32 $0x192, v10;
	v41 =	vadd.s32 $0x2, v8;
	[tilespmem:v36+s20+$0x0] =	vst.idx.msk $0xffff, v50;
	v50 =	vmul.u32 $0x5, v18  }
0x84: {  	v26 =	vmul.f32 v26, v4;
	v25 =	vmul.f32 v25, v3;
	v49 =	vld.idx.msk [tilespmem:v37+s18+$0x0], $0xffff  }
0x85: {  	v9 =	vadd.f32 v61, v58;
	v45 =	vshll.u32 v48, $0x1;
	[tilespmem:v8+s21+$0x0] =	vst.idx.msk $0xffff, v52;
	v8 =	vld [tilespmem:s0+$0x270]  }
0x86: {  	v44 =	vadd.f32 v26, v25;
	v58 =	vmul.f32 v30, v2;
	v53 =	vadd.s32 $0x1, v50;
	v52 =	vld.idx.msk [tilespmem:v19+s18+$0x0], $0xffff  }
0x87: {  	v48 =	vor.u32 $0x1, v45;
	v55 =	vmul.f32 v28, v1;
	v57 =	vld.idx.msk [tilespmem:v47+s18+$0x0], $0xffff;
	[tilespmem:v39+s21+$0x0] =	vst.idx.msk $0xffff, v56  }
0x88: {  	v54 =	vmul.u32 $0x5, v40;
	v9 =	vadd.f32 v9, v5;
	v10 =	vld.idx.msk [tilespmem:v10+s18+$0x0], $0xffff;
	v56 =	vadd.s32 $0x2, v50;
	[tilespmem:v41+s21+$0x0] =	vst.idx.msk $0xffff, v7  }
0x89: {  	v61 =	vmul.u32 $0x3, v18;
	v34 =	vmul.f32 v28, v3;
	v59 =	vadd.s32 $0x3, v50;
	v7 =	vld.idx.msk [tilespmem:v43+s18+$0x0], $0xffff;
	[tilespmem:v50+s20+$0x0] =	vst.idx.msk $0xffff, v38  }
0x8a: {  	v51 =	vadd.f32 v44, v6;
	v33 =	vadd.s32 $0x3, v54;
	v62 =	vadd.s32 $0x4, v50;
	[tilespmem:v45+s22+$0x0] =	vst.idx.msk $0xffff, v9  }
0x8b: {  	v60 =	vadd.s32 $0x1, v54;
	v63 =	vadd.s32 $0x2, v54;
	v35 =	vadd.s32 $0x1, v61;
	[tilespmem:v53+s20+$0x0] =	vst.idx.msk $0xffff, v42  }
0x8c: {  	v32 =	vld [tilespmem:s0+$0x470];
	v37 =	vadd.s32 $0x4, v54;
	v18 =	vshll.u32 v18, $0x1;
	[tilespmem:v48+s22+$0x0] =	vst.idx.msk $0xffff, v51;
	v8 =	vmul.u32 $0x3, v8  }
0x8d: {  	v36 =	vld [tilespmem:s0+$0x670];
	v12 =	vadd.f32 v58, v55;
	v44 =	vor.u32 $0x1, v18;
	v39 =	vadd.s32 $0x2, v61;
	[tilespmem:v56+s20+$0x0] =	vst.idx.msk $0xffff, v46  }
0x8e: {  	v19 =	vld.idx.msk [tilespmem:v54+s18+$0x0], $0xffff;
	v38 =	vmul.f32 v30, v4;
	v41 =	vor.u32 s31, v0;
	v40 =	vadd.s32 $0x190, v8;
	[tilespmem:v59+s20+$0x0] =	vst.idx.msk $0xffff, v49  }
0x8f: {  	v47 =	vld.idx.msk [tilespmem:v33+s18+$0x0], $0xffff;
	v46 =	vmul.u32 $0x5, v41;
	v43 =	vadd.s32 $0x191, v8;
	v8 =	vadd.s32 $0x192, v8;
	[tilespmem:v62+s20+$0x0] =	vst.idx.msk $0xffff, v52  }
0x90: {  	v42 =	vld.idx.msk [tilespmem:v60+s18+$0x0], $0xffff;
	[tilespmem:v61+s21+$0x0] =	vst.idx.msk $0xffff, v7;
	v7 =	vadd.f32 v38, v34  }
0x91: {  	v45 =	vld.idx.msk [tilespmem:v63+s18+$0x0], $0xffff;
	v48 =	vadd.f32 v12, v5;
	v50 =	vadd.s32 $0x1, v46;
	[tilespmem:v35+s21+$0x0] =	vst.idx.msk $0xffff, v57  }
0x92: {  	v49 =	vld.idx.msk [tilespmem:v37+s18+$0x0], $0xffff;
	v52 =	vadd.s32 $0x2, v46;
	[tilespmem:v39+s21+$0x0] =	vst.idx.msk $0xffff, v10;
	v7 =	vadd.f32 v7, v6  }
0x93: {  	v54 =	vadd.s32 $0x3, v46;
	v51 =	vld.idx.msk [tilespmem:v40+s18+$0x0], $0xffff;
	[tilespmem:v18+s22+$0x0] =	vst.idx.msk $0xffff, v48  }
0x94: {  	v55 =	vadd.s32 $0x4, v46;
	[tilespmem:v44+s22+$0x0] =	vst.idx.msk $0xffff, v7;
	v7 =	vld.idx.msk [tilespmem:v8+s18+$0x0], $0xffff;
	v8 =	vmul.u32 $0x3, v41  }
0x95: {  	v53 =	vld.idx.msk [tilespmem:v43+s18+$0x0], $0xffff;
	[tilespmem:v46+s20+$0x0] =	vst.idx.msk $0xffff, v19  }
0x96: {  	[tilespmem:v50+s20+$0x0] =	vst.idx.msk $0xffff, v42;
	v56 =	vadd.s32 $0x1, v8  }
0x97: {  	v58 =	vmul.f32 v36, v2;
	v57 =	vmul.f32 v32, v1;
	[tilespmem:v52+s20+$0x0] =	vst.idx.msk $0xffff, v45;
	v59 =	vadd.s32 $0x2, v8  }
0x98: {  	v16 =	vmul.f32 v36, v4;
	v60 =	vmul.f32 v32, v3;
	v14 =	vshll.u32 v41, $0x1;
	[tilespmem:v54+s20+$0x0] =	vst.idx.msk $0xffff, v47  }
0x99: {  	p1 =	por p0, p0;
	v61 =	vor.u32 $0x1, v14;
	v17 =	vadd.f32 v58, v57;
	[tilespmem:v55+s20+$0x0] =	vst.idx.msk $0xffff, v49  }
.Ltmp0:
0x9a: {  	v62 =	vadd.f32 v16, v60;
	[tilespmem:v8+s21+$0x0] =	vst.idx.msk $0xffff, v51;
	(pc) =	sbr.rel @p1 .LBB2_2-.Ltmp0, $4  }
0x9b: {  	v8 =	vadd.f32 v17, v5;
	[tilespmem:v56+s21+$0x0] =	vst.idx.msk $0xffff, v53  }
0x9c: {  	v63 =	vadd.f32 v62, v6;
	[tilespmem:v59+s21+$0x0] =	vst.idx.msk $0xffff, v7  }
0x9d: {  	[tilespmem:v14+s22+$0x0] =	vst.idx.msk $0xffff, v8  }
0x9e: {  	p0 =	por $0x0, $0x0;
	s0 =	simm.s32 $0x80;
	[tilespmem:v61+s22+$0x0] =	vst.idx.msk $0xffff, v63  }
0x9f: {  	[hbm4b:s8+s2] =	stream.linear.scatter [tilespmem:s20], [sflag:$0x1], $0x500, $0x38;
	[tilespmem:$0x1E80] =	vst v63  }
0xa0: {  	s28 =	simm.s32 $0x8;
	s29 =	simm.s32 $0x170;
	s30 =	simm.s32 $0x770  }
0xa1: {  	[hbm4b:s9+s2] =	stream.linear.scatter [tilespmem:s21], [sflag:$0x1], $0x300, $0x38;
	[tilespmem:$0x1E80] =	vst v63  }
0xa2: {  	s31 =	simm.s32 $0x570;
	s0 =	simm.s32 $0x370;
	s1 =	simm.s32 $0x170  }
0xa3: {  	[hbm4b:s10+s2] =	stream.linear.scatter [tilespmem:s22], [sflag:$0x1], $0x200, $0x38;
	[tilespmem:$0x1E80] =	vst v63  }
.LBB2_4:
0xa4: {  	v7 =	vld [tilespmem:s29+$0xFFFFFF90]  }
0xa5: {  	v15 =	vld [tilespmem:s29+$0xFFFFFFA0];
	_ =	sdelay $0x1  }
0xa6: {  	v8 =	vld [tilespmem:s0+$0xFFFFFF90]  }
0xa7: {  	v10 =	vld [tilespmem:s31+$0xFFFFFF90]  }
0xa8: {  	v12 =	vld [tilespmem:s30+$0xFFFFFF90];
	v7 =	vmul.u32 $0x5, v7  }
0xa9: {  	v18 =	vld [tilespmem:s0+$0xFFFFFFA0];
	v15 =	vmul.u32 $0x5, v15  }
0xaa: {  	v20 =	vld [tilespmem:s31+$0xFFFFFFA0]  }
0xab: {  	v22 =	vld [tilespmem:s30+$0xFFFFFFA0];
	v9 =	vadd.s32 $0x1, v7  }
0xac: {  	v28 =	vld [tilespmem:s29+$0xFFFFFFB0];
	v8 =	vmul.u32 $0x3, v8;
	v11 =	vadd.s32 $0x2, v7  }
0xad: {  	v44 =	vld [tilespmem:s0+$0xFFFFFFB0];
	v13 =	vadd.s32 $0x3, v7  }
0xae: {  	v16 =	vadd.s32 $0x190, v8;
	v14 =	vld.idx.msk [tilespmem:v7+s18+$0x0], $0xffff  }
0xaf: {  	v17 =	vadd.s32 $0x191, v8;
	v25 =	vld.idx.msk [tilespmem:v15+s18+$0x0], $0xffff  }
0xb0: {  	v8 =	vadd.s32 $0x192, v8;
	v9 =	vld.idx.msk [tilespmem:v9+s18+$0x0], $0xffff  }
0xb1: {  	v19 =	vadd.s32 $0x1, v15;
	v11 =	vld.idx.msk [tilespmem:v11+s18+$0x0], $0xffff  }
0xb2: {  	v18 =	vmul.u32 $0x3, v18;
	v21 =	vadd.s32 $0x2, v15;
	v13 =	vld.idx.msk [tilespmem:v13+s18+$0x0], $0xffff  }
0xb3: {  	v23 =	vadd.s32 $0x3, v15;
	v16 =	vld.idx.msk [tilespmem:v16+s18+$0x0], $0xffff  }
0xb4: {  	s15 =	sadd.s32 $0xFFFFFF90, s1;
	v27 =	vadd.s32 $0x190, v18;
	v17 =	vld.idx.msk [tilespmem:v17+s18+$0x0], $0xffff  }
0xb5: {  	v24 =	vor.u32 s15, v0;
	s15 =	sadd.s32 $0xFFFFFFA0, s1;
	v30 =	vadd.s32 $0x191, v18;
	v8 =	vld.idx.msk [tilespmem:v8+s18+$0x0], $0xffff  }
0xb6: {  	v26 =	vmul.u32 $0x5, v24;
	v51 =	vor.u32 s15, v0;
	v18 =	vadd.s32 $0x192, v18;
	v19 =	vld.idx.msk [tilespmem:v19+s18+$0x0], $0xffff  }
0xb7: {  	v53 =	vmul.u32 $0x5, v51;
	v7 =	vadd.s32 $0x4, v7;
	v21 =	vld.idx.msk [tilespmem:v21+s18+$0x0], $0xffff  }
0xb8: {  	v15 =	vadd.s32 $0x4, v15;
	v23 =	vld.idx.msk [tilespmem:v23+s18+$0x0], $0xffff  }
0xb9: {  	v29 =	vadd.s32 $0x1, v26;
	v27 =	vld.idx.msk [tilespmem:v27+s18+$0x0], $0xffff  }
0xba: {  	v55 =	vadd.s32 $0x1, v53;
	v47 =	vld.idx.msk [tilespmem:v30+s18+$0x0], $0xffff  }
0xbb: {  	v31 =	vadd.s32 $0x2, v26;
	v49 =	vld.idx.msk [tilespmem:v18+s18+$0x0], $0xffff  }
0xbc: {  	v28 =	vmul.u32 $0x5, v28;
	v57 =	vadd.s32 $0x2, v53;
	v7 =	vld.idx.msk [tilespmem:v7+s18+$0x0], $0xffff;
	[tilespmem:v26+s20+$0x0] =	vst.idx.msk $0xffff, v14  }
0xbd: {  	v34 =	vadd.s32 $0x3, v26;
	v15 =	vld.idx.msk [tilespmem:v15+s18+$0x0], $0xffff;
	[tilespmem:v53+s20+$0x0] =	vst.idx.msk $0xffff, v25  }
0xbe: {  	v60 =	vadd.s32 $0x3, v53;
	v50 =	vadd.s32 $0x1, v28;
	[tilespmem:v29+s20+$0x0] =	vst.idx.msk $0xffff, v9  }
0xbf: {  	v56 =	vld [tilespmem:s29+$0xFFFFFFC0];
	v36 =	vadd.s32 $0x4, v26;
	v32 =	vmul.f32 v10, v1;
	v33 =	vmul.f32 v12, v2;
	[tilespmem:v55+s20+$0x0] =	vst.idx.msk $0xffff, v19  }
0xc0: {  	v37 =	vld [tilespmem:s0+$0xFFFFFFC0];
	v35 =	vmul.u32 $0x3, v24;
	v62 =	vadd.s32 $0x4, v53;
	v52 =	vadd.s32 $0x2, v28;
	[tilespmem:v31+s20+$0x0] =	vst.idx.msk $0xffff, v11  }
0xc1: {  	v45 =	vadd.f32 v33, v32;
	v33 =	vld [tilespmem:s30+$0xFFFFFFB0];
	v54 =	vadd.s32 $0x3, v28;
	[tilespmem:v57+s20+$0x0] =	vst.idx.msk $0xffff, v21  }
0xc2: {  	v46 =	vadd.s32 $0x1, v35;
	v30 =	vld [tilespmem:s31+$0xFFFFFFB0];
	v14 =	vmul.u32 $0x3, v44;
	[tilespmem:v34+s20+$0x0] =	vst.idx.msk $0xffff, v13  }
0xc3: {  	v24 =	vshll.u32 v24, $0x1;
	v48 =	vadd.s32 $0x2, v35;
	v18 =	vld.idx.msk [tilespmem:v50+s18+$0x0], $0xffff;
	[tilespmem:v60+s20+$0x0] =	vst.idx.msk $0xffff, v23  }
0xc4: {  	v10 =	vmul.f32 v10, v3;
	v12 =	vmul.f32 v12, v4;
	v19 =	vld [tilespmem:s30+$0xFFFFFFC0];
	v58 =	vadd.s32 $0x190, v14;
	[tilespmem:v36+s20+$0x0] =	vst.idx.msk $0xffff, v7  }
0xc5: {  	s15 =	sadd.s32 $0xFFFFFFB0, s1;
	v31 =	vld.idx.msk [tilespmem:v52+s18+$0x0], $0xffff;
	v61 =	vadd.s32 $0x191, v14;
	v7 =	vor.u32 $0x1, v24;
	[tilespmem:v62+s20+$0x0] =	vst.idx.msk $0xffff, v15  }
0xc6: {  	v40 =	vor.u32 s15, v0;
	v10 =	vadd.f32 v12, v10;
	v14 =	vadd.s32 $0x192, v14;
	v34 =	vld.idx.msk [tilespmem:v54+s18+$0x0], $0xffff;
	[tilespmem:v35+s21+$0x0] =	vst.idx.msk $0xffff, v16  }
0xc7: {  	v43 =	vmul.u32 $0x5, v40;
	v26 =	vadd.f32 v45, v5;
	v62 =	vld [tilespmem:s0+$0xFFFFFFD0];
	[tilespmem:v46+s21+$0x0] =	vst.idx.msk $0xffff, v17  }
0xc8: {  	v10 =	vadd.f32 v10, v6;
	v16 =	vld.idx.msk [tilespmem:v28+s18+$0x0], $0xffff;
	v28 =	vadd.s32 $0x4, v28;
	v17 =	vmul.u32 $0x5, v56;
	[tilespmem:v48+s21+$0x0] =	vst.idx.msk $0xffff, v8  }
0xc9: {  	v39 =	vld.idx.msk [tilespmem:v58+s18+$0x0], $0xffff;
	v48 =	vadd.s32 $0x1, v43;
	[tilespmem:v24+s22+$0x0] =	vst.idx.msk $0xffff, v26  }
0xca: {  	v41 =	vld.idx.msk [tilespmem:v61+s18+$0x0], $0xffff;
	v46 =	vmul.u32 $0x3, v37;
	v44 =	vadd.s32 $0x1, v17;
	[tilespmem:v7+s22+$0x0] =	vst.idx.msk $0xffff, v10;
	v7 =	vmul.u32 $0x3, v51  }
0xcb: {  	v59 =	vmul.f32 v22, v2;
	v14 =	vld.idx.msk [tilespmem:v14+s18+$0x0], $0xffff;
	v45 =	vadd.s32 $0x2, v17  }
0xcc: {  	v13 =	vshll.u32 v51, $0x1;
	v56 =	vadd.s32 $0x191, v46;
	v51 =	vld [tilespmem:s29+$0xFFFFFFD0];
	v32 =	vadd.s32 $0x1, v7  }
0xcd: {  	v8 =	vmul.f32 v20, v1;
	v63 =	vld.idx.msk [tilespmem:v28+s18+$0x0], $0xffff;
	[tilespmem:v43+s20+$0x0] =	vst.idx.msk $0xffff, v16;
	v38 =	vadd.s32 $0x2, v7  }
0xce: {  	v22 =	vmul.f32 v22, v4;
	v20 =	vmul.f32 v20, v3;
	v9 =	vadd.s32 $0x192, v46;
	[tilespmem:v48+s20+$0x0] =	vst.idx.msk $0xffff, v18;
	v48 =	vld [tilespmem:s29+$0xFFFFFFE0]  }
0xcf: {  	s15 =	sadd.s32 $0xFFFFFFC0, s1;
	v42 =	vor.u32 $0x1, v13;
	v8 =	vadd.f32 v59, v8;
	v53 =	vld.idx.msk [tilespmem:v44+s18+$0x0], $0xffff  }
0xd0: {  	v61 =	vor.u32 s15, v0;
	v50 =	vadd.s32 $0x190, v46;
	v20 =	vadd.f32 v22, v20;
	v55 =	vld.idx.msk [tilespmem:v45+s18+$0x0], $0xffff;
	[tilespmem:v7+s21+$0x0] =	vst.idx.msk $0xffff, v27  }
0xd1: {  	v36 =	vmul.u32 $0x5, v61;
	v8 =	vadd.f32 v8, v5;
	v22 =	vld.idx.msk [tilespmem:v56+s18+$0x0], $0xffff;
	[tilespmem:v32+s21+$0x0] =	vst.idx.msk $0xffff, v47;
	v47 =	vadd.s32 $0x3, v17  }
0xd2: {  	[tilespmem:v38+s21+$0x0] =	vst.idx.msk $0xffff, v49;
	v49 =	vld.idx.msk [tilespmem:v17+s18+$0x0], $0xffff;
	v17 =	vadd.s32 $0x4, v17  }
0xd3: {  	v9 =	vld.idx.msk [tilespmem:v9+s18+$0x0], $0xffff;
	[tilespmem:v13+s22+$0x0] =	vst.idx.msk $0xffff, v8;
	v8 =	vadd.s32 $0x2, v43  }
0xd4: {  	v20 =	vadd.f32 v20, v6;
	v7 =	vld [tilespmem:s31+$0xFFFFFFC0];
	v38 =	vadd.s32 $0x1, v36  }
0xd5: {  	v52 =	vadd.s32 $0x3, v43;
	v57 =	vmul.f32 v30, v1;
	v54 =	vmul.u32 $0x3, v40;
	v13 =	vld.idx.msk [tilespmem:v50+s18+$0x0], $0xffff  }
0xd6: {  	v23 =	vshll.u32 v40, $0x1;
	v58 =	vmul.f32 v33, v2;
	v40 =	vadd.s32 $0x2, v36;
	[tilespmem:v42+s22+$0x0] =	vst.idx.msk $0xffff, v20;
	v27 =	vld.idx.msk [tilespmem:v47+s18+$0x0], $0xffff  }
0xd7: {  	v30 =	vmul.f32 v30, v3;
	v15 =	vadd.s32 $0x4, v43;
	v17 =	vld.idx.msk [tilespmem:v17+s18+$0x0], $0xffff;
	[tilespmem:v36+s20+$0x0] =	vst.idx.msk $0xffff, v49  }
0xd8: {  	v60 =	vmul.f32 v33, v4;
	v29 =	vadd.f32 v58, v57;
	[tilespmem:v8+s20+$0x0] =	vst.idx.msk $0xffff, v31  }
0xd9: {  	v46 =	vmul.u32 $0x3, v61;
	v28 =	vmul.u32 $0x5, v51;
	v42 =	vadd.s32 $0x3, v36;
	[tilespmem:v38+s20+$0x0] =	vst.idx.msk $0xffff, v53  }
0xda: {  	v24 =	vld [tilespmem:s31+$0xFFFFFFD0];
	v59 =	vadd.s32 $0x1, v54;
	v10 =	vshll.u32 v61, $0x1;
	v43 =	vmul.u32 $0x3, v62;
	[tilespmem:v52+s20+$0x0] =	vst.idx.msk $0xffff, v34  }
0xdb: {  	v18 =	vadd.f32 v60, v30;
	v30 =	vld [tilespmem:s30+$0xFFFFFFD0];
	v37 =	vadd.s32 $0x1, v28;
	v47 =	vadd.s32 $0x4, v36;
	[tilespmem:v40+s20+$0x0] =	vst.idx.msk $0xffff, v55  }
0xdc: {  	v61 =	vmul.u32 $0x5, v48;
	v48 =	vld [tilespmem:s29+$0xFFFFFFF0];
	v56 =	vadd.s32 $0x192, v43;
	v8 =	vadd.s32 $0x2, v54;
	[tilespmem:v15+s20+$0x0] =	vst.idx.msk $0xffff, v63  }
0xdd: {  	v62 =	vld [tilespmem:s0+$0xFFFFFFE0];
	v53 =	vadd.s32 $0x191, v43;
	[tilespmem:v54+s21+$0x0] =	vst.idx.msk $0xffff, v39  }
0xde: {  	v29 =	vadd.f32 v29, v5;
	v51 =	vadd.s32 $0x1, v46;
	v20 =	vld [tilespmem:s30+$0xFFFFFFE0];
	v40 =	vadd.s32 $0x2, v61;
	[tilespmem:v42+s20+$0x0] =	vst.idx.msk $0xffff, v27  }
0xdf: {  	v45 =	vmul.f32 v19, v2;
	v19 =	vmul.f32 v19, v4;
	v44 =	vld.idx.msk [tilespmem:v28+s18+$0x0], $0xffff;
	[tilespmem:v59+s21+$0x0] =	vst.idx.msk $0xffff, v41  }
0xe0: {  	s15 =	sadd.s32 $0xFFFFFFD0, s1;
	v18 =	vadd.f32 v18, v6;
	v50 =	vadd.s32 $0x190, v43;
	v49 =	vld.idx.msk [tilespmem:v37+s18+$0x0], $0xffff;
	v63 =	vor.u32 $0x1, v23;
	[tilespmem:v47+s20+$0x0] =	vst.idx.msk $0xffff, v17  }
0xe1: {  	v57 =	vor.u32 s15, v0;
	v38 =	vld.idx.msk [tilespmem:v56+s18+$0x0], $0xffff;
	v54 =	vadd.s32 $0x2, v46;
	[tilespmem:v8+s21+$0x0] =	vst.idx.msk $0xffff, v14;
	v8 =	vmul.f32 v7, v1  }
0xe2: {  	v60 =	vmul.u32 $0x5, v57;
	v39 =	vadd.s32 $0x2, v28;
	v7 =	vmul.f32 v7, v3;
	[tilespmem:v46+s21+$0x0] =	vst.idx.msk $0xffff, v13;
	v36 =	vld.idx.msk [tilespmem:v53+s18+$0x0], $0xffff  }
0xe3: {  	v41 =	vadd.s32 $0x3, v28;
	v59 =	vor.u32 $0x1, v10;
	[tilespmem:v51+s21+$0x0] =	vst.idx.msk $0xffff, v22;
	v51 =	vld.idx.msk [tilespmem:v40+s18+$0x0], $0xffff;
	v8 =	vadd.f32 v45, v8  }
0xe4: {  	v28 =	vadd.s32 $0x4, v28;
	[tilespmem:v23+s22+$0x0] =	vst.idx.msk $0xffff, v29;
	v40 =	vld [tilespmem:s30+$0xFFFFFFF0];
	v7 =	vadd.f32 v19, v7  }
0xe5: {  	v37 =	vadd.s32 $0x1, v60;
	v42 =	vadd.s32 $0x3, v61;
	[tilespmem:v63+s22+$0x0] =	vst.idx.msk $0xffff, v18;
	v63 =	vld.idx.msk [tilespmem:v50+s18+$0x0], $0xffff;
	v8 =	vadd.f32 v8, v5  }
0xe6: {  	v45 =	vld.idx.msk [tilespmem:v61+s18+$0x0], $0xffff;
	[tilespmem:v54+s21+$0x0] =	vst.idx.msk $0xffff, v9;
	v7 =	vadd.f32 v7, v6  }
0xe7: {  	v52 =	vld.idx.msk [tilespmem:v39+s18+$0x0], $0xffff;
	[tilespmem:v10+s22+$0x0] =	vst.idx.msk $0xffff, v8;
	v8 =	vadd.s32 $0x2, v60  }
0xe8: {  	v43 =	vmul.u32 $0x3, v57;
	v39 =	vadd.s32 $0x1, v61;
	v55 =	vld.idx.msk [tilespmem:v41+s18+$0x0], $0xffff;
	[tilespmem:v59+s22+$0x0] =	vst.idx.msk $0xffff, v7;
	v7 =	vadd.s32 $0x3, v60  }
0xe9: {  	v46 =	vmul.f32 v24, v1;
	v58 =	vld.idx.msk [tilespmem:v28+s18+$0x0], $0xffff;
	[tilespmem:v60+s20+$0x0] =	vst.idx.msk $0xffff, v44;
	v44 =	vadd.s32 $0x4, v60;
	v28 =	vadd.s32 $0x4, v61  }
0xea: {  	v21 =	vld.idx.msk [tilespmem:v42+s18+$0x0], $0xffff;
	v41 =	vmul.u32 $0x3, v62;
	[tilespmem:v37+s20+$0x0] =	vst.idx.msk $0xffff, v49;
	v49 =	vmul.f32 v30, v2  }
0xeb: {  	v24 =	vmul.f32 v24, v3;
	v50 =	vadd.s32 $0x1, v43;
	v30 =	vmul.f32 v30, v4;
	v10 =	vld [tilespmem:s31+$0xFFFFFFE0]  }
0xec: {  	s15 =	sadd.s32 $0xFFFFFFE0, s1;
	v47 =	vadd.s32 $0x190, v41;
	v54 =	vadd.f32 v49, v46;
	v60 =	vld [tilespmem:s0+$0xFFFFFFF0];
	[tilespmem:v8+s20+$0x0] =	vst.idx.msk $0xffff, v52;
	v8 =	vadd.s32 $0x2, v43  }
0xed: {  	v53 =	vor.u32 s15, v0;
	v24 =	vadd.f32 v30, v24;
	v14 =	vld.idx.msk [tilespmem:v39+s18+$0x0], $0xffff;
	[tilespmem:v7+s20+$0x0] =	vst.idx.msk $0xffff, v55;
	v7 =	vshll.u32 v57, $0x1  }
0xee: {  	v56 =	vld.idx.msk [tilespmem:v28+s18+$0x0], $0xffff;
	v52 =	vadd.s32 $0x191, v41;
	v57 =	vmul.u32 $0x5, v53;
	[tilespmem:v44+s20+$0x0] =	vst.idx.msk $0xffff, v58;
	v55 =	vor.u32 $0x1, v7  }
0xef: {  	v17 =	vadd.s32 $0x192, v41;
	v61 =	vadd.f32 v24, v6;
	v24 =	vld [tilespmem:s31+$0xFFFFFFF0];
	v58 =	vmul.u32 $0x5, v48;
	[tilespmem:v43+s21+$0x0] =	vst.idx.msk $0xffff, v63  }
0xf0: {  	v59 =	vadd.f32 v54, v5;
	v54 =	vld [tilespmem:s0+$0x0];
	v62 =	vadd.s32 $0x1, v57;
	[tilespmem:v50+s21+$0x0] =	vst.idx.msk $0xffff, v36  }
0xf1: {  	v35 =	vmul.f32 v20, v2;
	v12 =	vld.idx.msk [tilespmem:v47+s18+$0x0], $0xffff;
	v33 =	vadd.s32 $0x2, v57;
	v34 =	vadd.s32 $0x1, v58;
	[tilespmem:v8+s21+$0x0] =	vst.idx.msk $0xffff, v38  }
0xf2: {  	v11 =	vmul.u32 $0x3, v60;
	v44 =	vld [tilespmem:s29+$0x0];
	v36 =	vadd.s32 $0x3, v57;
	v37 =	vadd.s32 $0x2, v58;
	[tilespmem:v7+s22+$0x0] =	vst.idx.msk $0xffff, v59  }
0xf3: {  	s15 =	sadd.s32 $0xFFFFFFF0, s1;
	v39 =	vadd.s32 $0x4, v57;
	v41 =	vadd.s32 $0x3, v58;
	v8 =	vld.idx.msk [tilespmem:v52+s18+$0x0], $0xffff;
	v38 =	vmul.u32 $0x3, v53;
	[tilespmem:v55+s22+$0x0] =	vst.idx.msk $0xffff, v61  }
0xf4: {  	v16 =	vshll.u32 v53, $0x1;
	v48 =	vor.u32 s15, v0;
	v50 =	vadd.s32 $0x191, v11;
	v7 =	vld.idx.msk [tilespmem:v17+s18+$0x0], $0xffff;
	[tilespmem:v57+s20+$0x0] =	vst.idx.msk $0xffff, v45  }
0xf5: {  	v47 =	vadd.s32 $0x190, v11;
	v11 =	vadd.s32 $0x192, v11;
	v43 =	vadd.s32 $0x1, v38;
	v42 =	vld.idx.msk [tilespmem:v58+s18+$0x0], $0xffff;
	[tilespmem:v62+s20+$0x0] =	vst.idx.msk $0xffff, v14  }
0xf6: {  	v13 =	vadd.s32 $0x4, v58;
	v53 =	vmul.u32 $0x5, v48;
	v45 =	vadd.s32 $0x2, v38;
	[tilespmem:v33+s20+$0x0] =	vst.idx.msk $0xffff, v51;
	v46 =	vld.idx.msk [tilespmem:v34+s18+$0x0], $0xffff  }
0xf7: {  	v20 =	vmul.f32 v20, v4;
	v63 =	vmul.f32 v10, v1;
	v49 =	vld.idx.msk [tilespmem:v37+s18+$0x0], $0xffff;
	[tilespmem:v36+s20+$0x0] =	vst.idx.msk $0xffff, v21  }
0xf8: {  	v28 =	vmul.f32 v40, v4;
	v10 =	vmul.f32 v10, v3;
	v52 =	vld.idx.msk [tilespmem:v41+s18+$0x0], $0xffff;
	[tilespmem:v39+s20+$0x0] =	vst.idx.msk $0xffff, v56  }
0xf9: {  	v17 =	vadd.f32 v35, v63;
	v55 =	vadd.s32 $0x1, v53;
	v59 =	vld.idx.msk [tilespmem:v50+s18+$0x0], $0xffff;
	[tilespmem:v38+s21+$0x0] =	vst.idx.msk $0xffff, v12  }
0xfa: {  	v10 =	vadd.f32 v20, v10;
	v51 =	vor.u32 $0x1, v16;
	v63 =	vld.idx.msk [tilespmem:v11+s18+$0x0], $0xffff;
	[tilespmem:v43+s21+$0x0] =	vst.idx.msk $0xffff, v8  }
0xfb: {  	v17 =	vadd.f32 v17, v5;
	v58 =	vadd.s32 $0x2, v53;
	v56 =	vmul.u32 $0x5, v44;
	v8 =	vld.idx.msk [tilespmem:v13+s18+$0x0], $0xffff;
	[tilespmem:v45+s21+$0x0] =	vst.idx.msk $0xffff, v7  }
0xfc: {  	v60 =	vmul.f32 v40, v2;
	v32 =	vmul.u32 $0x3, v48;
	v61 =	vadd.s32 $0x3, v53;
	v7 =	vld.idx.msk [tilespmem:v47+s18+$0x0], $0xffff;
	[tilespmem:v53+s20+$0x0] =	vst.idx.msk $0xffff, v42  }
0xfd: {  	v10 =	vadd.f32 v10, v6;
	v33 =	vadd.s32 $0x4, v53;
	v62 =	vadd.s32 $0x1, v56;
	[tilespmem:v16+s22+$0x0] =	vst.idx.msk $0xffff, v17  }
0xfe: {  	v40 =	vadd.s32 $0x2, v32;
	v57 =	vmul.f32 v24, v1;
	v34 =	vadd.s32 $0x2, v56;
	[tilespmem:v55+s20+$0x0] =	vst.idx.msk $0xffff, v46  }
0xff: {  	v35 =	vld [tilespmem:s31+$0x0];
	v37 =	vadd.s32 $0x1, v32;
	v12 =	vmul.u32 $0x3, v54;
	v36 =	vadd.s32 $0x3, v56;
	[tilespmem:v51+s22+$0x0] =	vst.idx.msk $0xffff, v10  }
0x100: {  	v20 =	vshll.u32 v48, $0x1;
	v24 =	vmul.f32 v24, v3;
	v38 =	vld [tilespmem:s30+$0x0];
	v39 =	vadd.s32 $0x4, v56;
	[tilespmem:v58+s20+$0x0] =	vst.idx.msk $0xffff, v49  }
0x101: {  	v14 =	vadd.f32 v60, v57;
	v41 =	vadd.s32 $0x190, v12;
	v42 =	vor.u32 s1, v0;
	v13 =	vld.idx.msk [tilespmem:v56+s18+$0x0], $0xffff;
	[tilespmem:v61+s20+$0x0] =	vst.idx.msk $0xffff, v52  }
0x102: {  	v43 =	vadd.s32 $0x191, v12;
	v45 =	vmul.u32 $0x5, v42;
	v22 =	vld.idx.msk [tilespmem:v62+s18+$0x0], $0xffff;
	[tilespmem:v33+s20+$0x0] =	vst.idx.msk $0xffff, v8;
	v8 =	vor.u32 $0x1, v20  }
0x103: {  	v12 =	vadd.s32 $0x192, v12;
	v44 =	vld.idx.msk [tilespmem:v34+s18+$0x0], $0xffff;
	[tilespmem:v32+s21+$0x0] =	vst.idx.msk $0xffff, v7;
	v7 =	vadd.f32 v28, v24  }
0x104: {  	v47 =	vadd.f32 v14, v5;
	v49 =	vadd.s32 $0x1, v45;
	v46 =	vld.idx.msk [tilespmem:v36+s18+$0x0], $0xffff;
	[tilespmem:v37+s21+$0x0] =	vst.idx.msk $0xffff, v59  }
0x105: {  	v51 =	vadd.s32 $0x2, v45;
	v48 =	vld.idx.msk [tilespmem:v39+s18+$0x0], $0xffff;
	[tilespmem:v40+s21+$0x0] =	vst.idx.msk $0xffff, v63;
	v7 =	vadd.f32 v7, v6  }
0x106: {  	v53 =	vadd.s32 $0x3, v45;
	v50 =	vld.idx.msk [tilespmem:v41+s18+$0x0], $0xffff;
	[tilespmem:v20+s22+$0x0] =	vst.idx.msk $0xffff, v47  }
0x107: {  	v54 =	vadd.s32 $0x4, v45;
	v52 =	vld.idx.msk [tilespmem:v43+s18+$0x0], $0xffff;
	[tilespmem:v8+s22+$0x0] =	vst.idx.msk $0xffff, v7;
	v8 =	vmul.u32 $0x3, v42  }
0x108: {  	v7 =	vld.idx.msk [tilespmem:v12+s18+$0x0], $0xffff;
	[tilespmem:v45+s20+$0x0] =	vst.idx.msk $0xffff, v13  }
0x109: {  	[tilespmem:v49+s20+$0x0] =	vst.idx.msk $0xffff, v22;
	v55 =	vadd.s32 $0x1, v8  }
0x10a: {  	v56 =	vmul.f32 v35, v1;
	v57 =	vmul.f32 v38, v2;
	[tilespmem:v51+s20+$0x0] =	vst.idx.msk $0xffff, v44;
	v58 =	vadd.s32 $0x2, v8  }
0x10b: {  	s28 =	sadd.s32 $0x8, s28;
	v60 =	vmul.f32 v38, v4;
	v61 =	vshll.u32 v42, $0x1;
	v59 =	vmul.f32 v35, v3;
	[tilespmem:v53+s20+$0x0] =	vst.idx.msk $0xffff, v46  }
0x10c: {  	p0 =	slt.u32 s28, $0x18;
	v62 =	vor.u32 $0x1, v61;
	v15 =	vadd.f32 v57, v56;
	[tilespmem:v54+s20+$0x0] =	vst.idx.msk $0xffff, v48  }
.Ltmp1:
0x10d: {  	v11 =	vadd.f32 v60, v59;
	[tilespmem:v8+s21+$0x0] =	vst.idx.msk $0xffff, v50;
	(pc) =	sbr.rel @p0 .LBB2_4-.Ltmp1, $4  }
0x10e: {  	v8 =	vadd.f32 v15, v5;
	[tilespmem:v55+s21+$0x0] =	vst.idx.msk $0xffff, v52  }
0x10f: {  	v63 =	vadd.f32 v11, v6;
	[tilespmem:v58+s21+$0x0] =	vst.idx.msk $0xffff, v7  }
0x110: {  	s0 =	sadd.s32 $0x80, s0;
	s29 =	sadd.s32 $0x80, s29;
	[tilespmem:v61+s22+$0x0] =	vst.idx.msk $0xffff, v8  }
0x111: {  	s31 =	sadd.s32 $0x80, s31;
	s30 =	sadd.s32 $0x80, s30;
	s1 =	sadd.s32 $0x80, s1;
	[tilespmem:v62+s22+$0x0] =	vst.idx.msk $0xffff, v63  }
0x112: {  	[hbm4b:s11+s2] =	stream.linear.scatter [tilespmem:s23], [sflag:$0x1], $0x500, $0x38;
	[tilespmem:$0x1E80] =	vst v63  }
0x113: {  	_ = 	snop  }
0x114: {  	[hbm4b:s12+s2] =	stream.linear.scatter [tilespmem:s24], [sflag:$0x1], $0x300, $0x38;
	[tilespmem:$0x1E80] =	vst v63  }
0x115: {  	_ = 	snop  }
0x116: {  	[hbm4b:s13+s2] =	stream.linear.scatter [tilespmem:s25], [sflag:$0x1], $0x200, $0x38;
	[tilespmem:$0x1E80] =	vst v63  }
0x117: {  	_ =	swait.ge [sflag:s19], $0x500  }
0x118: {  	[sflag:s19] =	ssyncset.done $0x0  }
0x119: {  	[sflag:s19] =	ssyncadd.s32 $0xFFFFFB00  }
0x11a: {  	_ =	swait.ge [sflag:s19], $0x300  }
0x11b: {  	[sflag:s19] =	ssyncset.done $0x0  }
0x11c: {  	[sflag:s19] =	ssyncadd.s32 $0xFFFFFD00  }
0x11d: {  	_ =	swait.ge [sflag:s19], $0x200  }
0x11e: {  	[sflag:s19] =	ssyncset.done $0x0  }
0x11f: {  	[sflag:s19] =	ssyncadd.s32 $0xFFFFFE00  }
0x120: {  	_ =	swait.ge [sflag:s19], $0x500  }
0x121: {  	[sflag:s19] =	ssyncset.done $0x0  }
0x122: {  	s26 =	sadd.s32 $0x1, s26;
	[sflag:s19] =	ssyncadd.s32 $0xFFFFFB00  }
0x123: {  	p0 =	sne.s32 s26, s14;
	_ =	swait.ge [sflag:s19], $0x300  }
.Ltmp2:
0x124: {  	[sflag:s19] =	ssyncset.done $0x0;
	(pc) =	sbr.rel @p0 .LBB2_1-.Ltmp2, $4  }
0x125: {  	[sflag:s19] =	ssyncadd.s32 $0xFFFFFD00  }
0x126: {  	_ =	swait.ge [sflag:s19], $0x200  }
0x127: {  	[sflag:s19] =	ssyncset.done $0x0  }
0x128: {  	[sflag:s19] =	ssyncadd.s32 $0xFFFFFE00  }
0x129: {  	_ =	sfence.sel $0x180000  }
0x12a: {  	[bflag:$0x0] =	sbarrier.arrive $0xFFFF  }
0x12b: {  	_ =	strace $0x90000047  }
0x12c: {  	s0 =	stileid.u32;
	[bflag:$0x2] =	sbarrier.arrive $0xFFFF  }
0x12d: {  	p0 =	sne.s32 s0, $0x0;
	s0 =	rddreg [dreg:$0x8]  }
0x12e: {  	s0 =	sadd.s32 @!p0 $0x100000, s0  }
0x12f: {  	[sflag:s0] =	ssyncadd.tile.s32 @!p0 $0x1;
	_ =	shalt  }
.Lfunc_end2:
_tile_overlayer_lowered:
.L_overlay_start_2:
0x130: {  	(tag) =	ssettag $0x2  }
0x131: {  	s0 =	rddreg [dreg:$0x0];
	s2 =	stileid.u32  }
0x132: {  	s1 =	rddreg [dreg:$0x1];
	p0 =	sne.s32 s2, $0x0  }
0x133: {  	s3 =	rddreg [dreg:$0x2];
	[bflag:$0x3] =	sbarrier.arrive $0xFFFF;
	s2 =	simm.s32 @!p0 $0x1C02  }
0x134: {  	[timem:s3], [sflag:s2] =	dma.local @!p0 [hbm:s0], s1  }
0x135: {  	s0 =	simm.s32 @!p0 $0x2  }
0x136: {  	_ =	swait.ge @!p0 [sflag:s0], s1  }
0x137: {  	s1 =	ssub.s32 @!p0 $0x0, s1;
	[sflag:s0] =	ssyncset.done @!p0 $0x0  }
0x138: {  	[sflag:s0] =	ssyncadd.s32 @!p0 s1  }
0x139: {  	[bflag:$0x3] =	sbarrier.arrive $0xFFFF  }
0x13a: {  	_ =	shalt  }

</sc_bundles>
